<compile_context>
chip_gen: v7x
topology: tpu7x:2x2x1
jax: 0.10.2.dev20260603
libtpu: 0.0.44.dev20260713+nightly
codegen_flags: <defaults>
</compile_context>

<pallas_src>
import functools

import jax
import jax.numpy as jnp
from jax import lax
from jax.experimental import pallas as pl
from jax.experimental.pallas import tpu as pltpu
from jax.experimental.pallas import tpu_sc as plsc

N_NODES = 10000
N_EDGES = 320000
HIDDEN = 128

NC = 2
NS = 16
NW = NC * NS

EDGES_PER_TILE = N_EDGES // NW
CHUNK = 80
N_CH = EDGES_PER_TILE // CHUNK
REPACK = 10240
ROWS_PER_TILE = 624
REM_ROWS = N_NODES - NS * ROWS_PER_TILE


def _sc_segment_sum(edge_index, edge_attr):
    mesh = plsc.VectorSubcoreMesh(core_axis_name="c", subcore_axis_name="s")

    @functools.partial(
        pl.kernel,
        out_type=[
            jax.ShapeDtypeStruct((N_NODES, HIDDEN), jnp.float32),
            jax.ShapeDtypeStruct((N_NODES, HIDDEN), jnp.float32),
            jax.ShapeDtypeStruct((N_EDGES,), jnp.int32),
        ],
        mesh=mesh,
        scratch_types=[
            pltpu.VMEM((REPACK,), jnp.int32),
            pltpu.VMEM((CHUNK,), jnp.int32),
            pltpu.VMEM((CHUNK,), jnp.int32),
            pltpu.VMEM((CHUNK,), jnp.int32),
            pltpu.VMEM((CHUNK, HIDDEN), jnp.float32),
            pltpu.VMEM((CHUNK, HIDDEN), jnp.float32),
            pltpu.VMEM((CHUNK, HIDDEN), jnp.float32),
            pltpu.VMEM_SHARED((N_NODES, HIDDEN), jnp.float32),
            pltpu.SemaphoreType.DMA,
            pltpu.SemaphoreType.DMA,
            pltpu.SemaphoreType.DMA,
            pltpu.SemaphoreType.DMA,
            pltpu.SemaphoreType.DMA,
            pltpu.SemaphoreType.DMA,
        ],
    )
    def seg_sum(ei_hbm, edges_hbm, out0_hbm, out1_hbm, idx_hbm,
                rep_v, idx_v0, idx_v1, idx_v2, rows_v0, rows_v1, rows_v2,
                acc_sh, fsem0, fsem1, fsem2, ssem0, ssem1, ssem2):
        cid = lax.axis_index("c")
        sid = lax.axis_index("s")
        wid = sid * NC + cid
        base = wid * EDGES_PER_TILE

        a0 = pl.multiple_of(lax.div(base, 128) * 128, 128)
        r0 = pl.multiple_of(base - a0, 8)
        pltpu.sync_copy(ei_hbm.at[0, pl.ds(a0, REPACK)], rep_v)
        wb = pltpu.async_copy(rep_v.at[pl.ds(r0, EDGES_PER_TILE)],
                              idx_hbm.at[pl.ds(base, EDGES_PER_TILE)], ssem0)

        zvec = jnp.zeros((16,), jnp.float32)

        def zero_row(r, carry):
            for c in range(HIDDEN // 16):
                rows_v0[r, pl.ds(c * 16, 16)] = zvec
            return carry

        lax.fori_loop(0, CHUNK, zero_row, 0)
        rbase = sid * ROWS_PER_TILE
        zcp = []
        for t in range(ROWS_PER_TILE // CHUNK):
            zcp.append(pltpu.async_copy(
                rows_v0, acc_sh.at[pl.ds(rbase + t * CHUNK, CHUNK)], ssem1))
        tail = ROWS_PER_TILE % CHUNK
        zcp.append(pltpu.async_copy(
            rows_v0.at[pl.ds(0, tail)],
            acc_sh.at[pl.ds(rbase + ROWS_PER_TILE - tail, tail)], ssem1))

        @pl.when(sid == 0)
        def _():
            pltpu.async_copy(
                rows_v0.at[pl.ds(0, REM_ROWS)],
                acc_sh.at[pl.ds(NS * ROWS_PER_TILE, REM_ROWS)], ssem2).wait()

        wb.wait()
        for cp in zcp:
            cp.wait()

        idx_b = [idx_v0, idx_v1, idx_v2]
        rows_b = [rows_v0, rows_v1, rows_v2]
        fsem = [fsem0, fsem1, fsem2]
        ssem = [ssem0, ssem1, ssem2]

        def fetch(j, b):
            pltpu.async_copy(
                idx_hbm.at[pl.ds(base + j * CHUNK, CHUNK)], idx_b[b], fsem[b])
            pltpu.async_copy(
                edges_hbm.at[pl.ds(base + j * CHUNK, CHUNK)], rows_b[b], fsem[b])

        def wait_fetch(b):
            pltpu.make_async_copy(
                idx_hbm.at[pl.ds(0, CHUNK)], idx_b[b], fsem[b]).wait()
            pltpu.make_async_copy(
                edges_hbm.at[pl.ds(0, CHUNK)], rows_b[b], fsem[b]).wait()

        def scat(b):
            pltpu.async_copy(rows_b[b], acc_sh.at[idx_b[b]], ssem[b], add=True)

        def wait_scat(b):
            pltpu.make_async_copy(
                rows_b[b], acc_sh.at[idx_b[b]], ssem[b]).wait()

        fetch(0, 0)
        fetch(1, 1)
        plsc.subcore_barrier()

        wait_fetch(0)
        scat(0)
        fetch(2, 2)
        wait_fetch(1)
        scat(1)
        wait_scat(0)
        fetch(3, 0)

        def group(t, carry):
            j = 3 * t + 2
            for k, (b, bp) in enumerate(((2, 1), (0, 2), (1, 0))):
                wait_fetch(b)
                scat(b)
                wait_scat(bp)
                fetch(j + k + 2, bp)
            return carry

        lax.fori_loop(0, (N_CH - 5) // 3, group, 0)
        wait_fetch(2)
        scat(2)
        wait_scat(1)
        fetch(124, 1)
        wait_fetch(0)
        scat(0)
        wait_scat(2)
        wait_fetch(1)
        scat(1)
        wait_scat(0)
        wait_scat(1)
        plsc.subcore_barrier()

        @pl.when(cid == 0)
        def _():
            pltpu.sync_copy(
                acc_sh.at[pl.ds(sid * ROWS_PER_TILE, ROWS_PER_TILE)],
                out0_hbm.at[pl.ds(sid * ROWS_PER_TILE, ROWS_PER_TILE)],
            )

            @pl.when(sid == 0)
            def _():
                pltpu.sync_copy(
                    acc_sh.at[pl.ds(NS * ROWS_PER_TILE, REM_ROWS)],
                    out0_hbm.at[pl.ds(NS * ROWS_PER_TILE, REM_ROWS)],
                )

        @pl.when(cid == 1)
        def _():
            pltpu.sync_copy(
                acc_sh.at[pl.ds(sid * ROWS_PER_TILE, ROWS_PER_TILE)],
                out1_hbm.at[pl.ds(sid * ROWS_PER_TILE, ROWS_PER_TILE)],
            )

            @pl.when(sid == 0)
            def _():
                pltpu.sync_copy(
                    acc_sh.at[pl.ds(NS * ROWS_PER_TILE, REM_ROWS)],
                    out1_hbm.at[pl.ds(NS * ROWS_PER_TILE, REM_ROWS)],
                )

    return seg_sum(edge_index, edge_attr)


ROW_BLK = 5000


def _pre_body(x_ref, w1a_ref, b1_ref, b2_ref, hx_ref, xb2_ref):
    xb = x_ref[...]
    hx_ref[...] = (
        jnp.dot(xb, w1a_ref[...], preferred_element_type=jnp.float32)
        + b1_ref[...]
    )
    xb2_ref[...] = xb + b2_ref[...]


def _tc_pre(x, w1a, b1, b2):
    grid = (N_NODES // ROW_BLK,)
    blk = lambda i: (i, 0)
    fixed = lambda i: (0, 0)
    return pl.pallas_call(
        _pre_body,
        grid=grid,
        in_specs=[
            pl.BlockSpec((ROW_BLK, HIDDEN), blk),
            pl.BlockSpec((HIDDEN, HIDDEN), fixed),
            pl.BlockSpec((1, HIDDEN), fixed),
            pl.BlockSpec((1, HIDDEN), fixed),
        ],
        out_specs=[
            pl.BlockSpec((ROW_BLK, HIDDEN), blk),
            pl.BlockSpec((ROW_BLK, HIDDEN), blk),
        ],
        out_shape=[
            jax.ShapeDtypeStruct((N_NODES, HIDDEN), jnp.float32),
            jax.ShapeDtypeStruct((N_NODES, HIDDEN), jnp.float32),
        ],
    )(x, w1a, b1, b2)


def _post_body(hx_ref, xb2_ref, p0_ref, p1_ref, w1b_ref, w2_ref, o_ref):
    s = p0_ref[...] + p1_ref[...]
    h = hx_ref[...] + jnp.dot(s, w1b_ref[...], preferred_element_type=jnp.float32)
    h = jnp.maximum(h, 0.0)
    o = jnp.dot(h, w2_ref[...], preferred_element_type=jnp.float32)
    o_ref[...] = o + xb2_ref[...]


def _tc_post(hx, xb2, p0, p1, w1b, w2):
    grid = (N_NODES // ROW_BLK,)
    blk = lambda i: (i, 0)
    fixed = lambda i: (0, 0)
    return pl.pallas_call(
        _post_body,
        grid=grid,
        in_specs=[
            pl.BlockSpec((ROW_BLK, HIDDEN), blk),
            pl.BlockSpec((ROW_BLK, HIDDEN), blk),
            pl.BlockSpec((ROW_BLK, HIDDEN), blk),
            pl.BlockSpec((ROW_BLK, HIDDEN), blk),
            pl.BlockSpec((HIDDEN, HIDDEN), fixed),
            pl.BlockSpec((HIDDEN, HIDDEN), fixed),
        ],
        out_specs=pl.BlockSpec((ROW_BLK, HIDDEN), blk),
        out_shape=jax.ShapeDtypeStruct((N_NODES, HIDDEN), jnp.float32),
    )(hx, xb2, p0, p1, w1b, w2)


def kernel(x, edge_index, edge_attr, u, batch, W1, b1, W2, b2):
    p0, p1, _ = _sc_segment_sum(edge_index.astype(jnp.int32), edge_attr)
    hx, xb2 = _tc_pre(x, W1[:HIDDEN], b1.reshape(1, HIDDEN),
                      b2.reshape(1, HIDDEN))
    return _tc_post(hx, xb2, p0, p1, W1[HIDDEN:], W2)

# --- scband reference (transcript-rebuilt; emitter-appended) ---
"""Pipeline reference for scband-node-model-54451595379231 (READ-ONLY COPY).

The authoritative reference and input builder live on the scoring server;
editing this copy changes nothing except your own understanding.
"""

import jax, jax.numpy as jnp
import numpy as np

N_NODES = 10000
N_EDGES = 320000
HIDDEN = 128


def setup_inputs(seed: int = 0) -> dict:
    key = jax.random.key(seed)
    k_x, k_ei, k_ea, k_u, k_w1, k_b1, k_w2, k_b2 = jax.random.split(key, 8)
    x = jax.random.normal(k_x, (N_NODES, HIDDEN), dtype=jnp.float32)
    edge_index = jax.random.randint(k_ei, (2, N_EDGES), 0, N_NODES, dtype=jnp.int64)
    edge_attr = jax.random.normal(k_ea, (N_EDGES, HIDDEN), dtype=jnp.float32)
    u = jax.random.normal(k_u, (1, HIDDEN), dtype=jnp.float32)
    batch = jnp.zeros((N_NODES,), dtype=jnp.int64)
    # node_mlp_2 params: Linear(2*hidden -> hidden), ReLU, Linear(hidden -> hidden)
    lim1 = 1.0 / np.sqrt(2 * HIDDEN)
    W1 = jax.random.uniform(k_w1, (2 * HIDDEN, HIDDEN), minval=-lim1, maxval=lim1, dtype=jnp.float32)
    b1 = jax.random.uniform(k_b1, (HIDDEN,), minval=-lim1, maxval=lim1, dtype=jnp.float32)
    lim2 = 1.0 / np.sqrt(HIDDEN)
    W2 = jax.random.uniform(k_w2, (HIDDEN, HIDDEN), minval=-lim2, maxval=lim2, dtype=jnp.float32)
    b2 = jax.random.uniform(k_b2, (HIDDEN,), minval=-lim2, maxval=lim2, dtype=jnp.float32)
    return {"x": x, "edge_index": edge_index, "edge_attr": edge_attr, "u": u, "batch": batch,
            "W1": W1, "b1": b1, "W2": W2, "b2": b2}


def reference(x, edge_index, edge_attr, u, batch, W1, b1, W2, b2):
    row = edge_index[0]
    # scatter_sum(edge_attr, row, dim=0, dim_size=N)
    edge_attr_sum = jax.ops.segment_sum(edge_attr, row, num_segments=x.shape[0])
    out = jnp.concatenate([x, edge_attr_sum], axis=1)
    h = jnp.maximum(out @ W1 + b1, 0.0)
    h = h @ W2 + b2
    return h + x

if __name__ == "__main__":
    import jax
    _d = setup_inputs()
    print(jax.jit(kernel)(*tuple(_d.values())))

</pallas_src>

<mosaic_0001>
#map = affine_map<(d0, d1) -> (0, 0)>
#map1 = affine_map<(d0, d1) -> (0)>
module attributes {stable_mosaic.version = 14 : i64} {
  func.func @seg_sum(%arg0: i32, %arg1: i32, %arg2: memref<2x320000xi32, #tpu.memory_space<hbm>>, %arg3: memref<320000x128xf32, #tpu.memory_space<hbm>>, %arg4: memref<10000x128xf32, #tpu.memory_space<hbm>>, %arg5: memref<10000x128xf32, #tpu.memory_space<hbm>>, %arg6: memref<320000xi32, #tpu.memory_space<hbm>>, %arg7: memref<10240xi32, #tpu.memory_space<vmem>>, %arg8: memref<80xi32, #tpu.memory_space<vmem>>, %arg9: memref<80xi32, #tpu.memory_space<vmem>>, %arg10: memref<80xi32, #tpu.memory_space<vmem>>, %arg11: memref<80x128xf32, #tpu.memory_space<vmem>>, %arg12: memref<80x128xf32, #tpu.memory_space<vmem>>, %arg13: memref<80x128xf32, #tpu.memory_space<vmem>>, %arg14: memref<10000x128xf32, #tpu.memory_space<vmem_shared>>, %arg15: memref<!tpu.dma_semaphore, #tpu.memory_space<semaphore_mem>>, %arg16: memref<!tpu.dma_semaphore, #tpu.memory_space<semaphore_mem>>, %arg17: memref<!tpu.dma_semaphore, #tpu.memory_space<semaphore_mem>>, %arg18: memref<!tpu.dma_semaphore, #tpu.memory_space<semaphore_mem>>, %arg19: memref<!tpu.dma_semaphore, #tpu.memory_space<semaphore_mem>>, %arg20: memref<!tpu.dma_semaphore, #tpu.memory_space<semaphore_mem>>) attributes {dimension_semantics = [#tpu.dimension_semantics<core_parallel>, #tpu.dimension_semantics<subcore_parallel>], iteration_bounds = array<i64: 2, 16>, scalar_prefetch = 0 : i64, scratch_operands = 14 : i64, tpu.core_type = #tpu.core_type<sc_vector_subcore>, window_params = [{transform_indices = #map}, {transform_indices = #map}, {transform_indices = #map}, {transform_indices = #map}, {transform_indices = #map1}]} {
    %mul3A = arith.constant 2 : i32
    %mul3A_0 = arith.muli %arg1, %mul3A : i32
    %add3A = arith.addi %mul3A_0, %arg0 : i32
    %mul3A_1 = arith.constant 10000 : i32
    %mul3A_2 = arith.muli %add3A, %mul3A_1 : i32
    %div3A = arith.constant 128 : i32
    %div3A_3 = arith.divsi %mul3A_2, %div3A : i32
    %mul3A_4 = arith.constant 128 : i32
    %mul3A_5 = arith.muli %div3A_3, %mul3A_4 : i32
    %multiple_of3A = tpu.assume_multiple %mul3A_5, 128 : i32
    %sub3A = arith.subi %mul3A_2, %multiple_of3A : i32
    %multiple_of3A_6 = tpu.assume_multiple %sub3A, 8 : i32
    %run_scoped3A = arith.constant 0 : i32
    "tpu.region"() ({
      %run_scoped3A_264 = tpu.sem_alloc : memref<!tpu.dma_semaphore, #tpu.memory_space<semaphore_mem>>
      %dma_start3A_265 = tpu.memref_slice %arg2[%run_scoped3A, %multiple_of3A] : memref<2x320000xi32, #tpu.memory_space<hbm>> -> memref<1x10240xi32, #tpu.memory_space<hbm>>
      %dma_start3A_266 = tpu.memref_squeeze %dma_start3A_265 : memref<1x10240xi32, #tpu.memory_space<hbm>> -> memref<10240xi32, #tpu.memory_space<hbm>>
      %dma_start3A_267 = tpu.memref_slice %arg2[%run_scoped3A, %multiple_of3A] : memref<2x320000xi32, #tpu.memory_space<hbm>> -> memref<1x10240xi32, #tpu.memory_space<hbm>>
      %dma_start3A_268 = tpu.memref_squeeze %dma_start3A_267 : memref<1x10240xi32, #tpu.memory_space<hbm>> -> memref<10240xi32, #tpu.memory_space<hbm>>
      tpu.enqueue_dma source(%dma_start3A_268 : memref<10240xi32, #tpu.memory_space<hbm>>) target(%arg7 : memref<10240xi32, #tpu.memory_space<vmem>>) target_semaphore(%run_scoped3A_264 : memref<!tpu.dma_semaphore, #tpu.memory_space<semaphore_mem>>)
      %dma_wait3A_269 = tpu.memref_slice %arg2[%run_scoped3A, %multiple_of3A] : memref<2x320000xi32, #tpu.memory_space<hbm>> -> memref<1x10240xi32, #tpu.memory_space<hbm>>
      %dma_wait3A_270 = tpu.memref_squeeze %dma_wait3A_269 : memref<1x10240xi32, #tpu.memory_space<hbm>> -> memref<10240xi32, #tpu.memory_space<hbm>>
      %dma_wait3A_271 = tpu.memref_slice %arg2[%run_scoped3A, %multiple_of3A] : memref<2x320000xi32, #tpu.memory_space<hbm>> -> memref<1x10240xi32, #tpu.memory_space<hbm>>
      %dma_wait3A_272 = tpu.memref_squeeze %dma_wait3A_271 : memref<1x10240xi32, #tpu.memory_space<hbm>> -> memref<10240xi32, #tpu.memory_space<hbm>>
      tpu.wait_dma2 semaphore(%run_scoped3A_264 : memref<!tpu.dma_semaphore, #tpu.memory_space<semaphore_mem>>) src(%dma_wait3A_272 : memref<10240xi32, #tpu.memory_space<hbm>>) dst(%arg7 : memref<10240xi32, #tpu.memory_space<vmem>>)
      tpu.yield
    }) : () -> ()
    %dma_start3A = tpu.memref_slice %arg7[%multiple_of3A_6] : memref<10240xi32, #tpu.memory_space<vmem>> -> memref<10000xi32, #tpu.memory_space<vmem>>
    %dma_start3A_7 = tpu.memref_slice %arg6[%mul3A_2] : memref<320000xi32, #tpu.memory_space<hbm>> -> memref<10000xi32, #tpu.memory_space<hbm>>
    %dma_start3A_8 = tpu.memref_slice %arg6[%mul3A_2] : memref<320000xi32, #tpu.memory_space<hbm>> -> memref<10000xi32, #tpu.memory_space<hbm>>
    %dma_start3A_9 = tpu.memref_slice %arg7[%multiple_of3A_6] : memref<10240xi32, #tpu.memory_space<vmem>> -> memref<10000xi32, #tpu.memory_space<vmem>>
    tpu.enqueue_dma source(%dma_start3A_9 : memref<10000xi32, #tpu.memory_space<vmem>>) target(%dma_start3A_8 : memref<10000xi32, #tpu.memory_space<hbm>>) target_semaphore(%arg18 : memref<!tpu.dma_semaphore, #tpu.memory_space<semaphore_mem>>)
    %broadcast_in_dim3A = arith.constant 0.000000e+00 : f32
    %broadcast_in_dim3A_10 = vector.broadcast %broadcast_in_dim3A : f32 to vector<16xf32>
    %scan3A = arith.constant 0 : i32
    %scan3A_11 = arith.constant 0 : i32
    %scan3A_12 = arith.constant 80 : i32
    %scan3A_13 = arith.addi %scan3A_11, %scan3A_12 : i32
    %scan3A_14 = arith.constant 1 : i32
    scf.for %scan3A_264 = %scan3A_11 to %scan3A_13 step %scan3A_14  : i32 {
      %swap3A = arith.index_cast %scan3A_264 : i32 to index
      %swap3A_265 = arith.constant 0 : index
      %swap3A_266 = tpu.vector_load %arg11[%swap3A, %swap3A_265] {strides = array<i32>} : memref<80x128xf32, #tpu.memory_space<vmem>>, vector<1x16xf32>,
      %swap3A_267 = vector.shape_cast %swap3A_266 : vector<1x16xf32> to vector<16xf32>
      %swap3A_268 = vector.shape_cast %broadcast_in_dim3A_10 : vector<16xf32> to vector<1x16xf32>
      tpu.vector_store %arg11[%swap3A, %swap3A_265], %swap3A_268 {strides = array<i32>} : memref<80x128xf32, #tpu.memory_space<vmem>>, vector<1x16xf32>,
      %swap3A_269 = arith.index_cast %scan3A_264 : i32 to index
      %swap3A_270 = arith.constant 16 : index
      %swap3A_271 = tpu.vector_load %arg11[%swap3A_269, %swap3A_270] {strides = array<i32>} : memref<80x128xf32, #tpu.memory_space<vmem>>, vector<1x16xf32>,
      %swap3A_272 = vector.shape_cast %swap3A_271 : vector<1x16xf32> to vector<16xf32>
      %swap3A_273 = vector.shape_cast %broadcast_in_dim3A_10 : vector<16xf32> to vector<1x16xf32>
      tpu.vector_store %arg11[%swap3A_269, %swap3A_270], %swap3A_273 {strides = array<i32>} : memref<80x128xf32, #tpu.memory_space<vmem>>, vector<1x16xf32>,
      %swap3A_274 = arith.index_cast %scan3A_264 : i32 to index
      %swap3A_275 = arith.constant 32 : index
      %swap3A_276 = tpu.vector_load %arg11[%swap3A_274, %swap3A_275] {strides = array<i32>} : memref<80x128xf32, #tpu.memory_space<vmem>>, vector<1x16xf32>,
      %swap3A_277 = vector.shape_cast %swap3A_276 : vector<1x16xf32> to vector<16xf32>
      %swap3A_278 = vector.shape_cast %broadcast_in_dim3A_10 : vector<16xf32> to vector<1x16xf32>
      tpu.vector_store %arg11[%swap3A_274, %swap3A_275], %swap3A_278 {strides = array<i32>} : memref<80x128xf32, #tpu.memory_space<vmem>>, vector<1x16xf32>,
      %swap3A_279 = arith.index_cast %scan3A_264 : i32 to index
      %swap3A_280 = arith.constant 48 : index
      %swap3A_281 = tpu.vector_load %arg11[%swap3A_279, %swap3A_280] {strides = array<i32>} : memref<80x128xf32, #tpu.memory_space<vmem>>, vector<1x16xf32>,
      %swap3A_282 = vector.shape_cast %swap3A_281 : vector<1x16xf32> to vector<16xf32>
      %swap3A_283 = vector.shape_cast %broadcast_in_dim3A_10 : vector<16xf32> to vector<1x16xf32>
      tpu.vector_store %arg11[%swap3A_279, %swap3A_280], %swap3A_283 {strides = array<i32>} : memref<80x128xf32, #tpu.memory_space<vmem>>, vector<1x16xf32>,
      %swap3A_284 = arith.index_cast %scan3A_264 : i32 to index
      %swap3A_285 = arith.constant 64 : index
      %swap3A_286 = tpu.vector_load %arg11[%swap3A_284, %swap3A_285] {strides = array<i32>} : memref<80x128xf32, #tpu.memory_space<vmem>>, vector<1x16xf32>,
      %swap3A_287 = vector.shape_cast %swap3A_286 : vector<1x16xf32> to vector<16xf32>
      %swap3A_288 = vector.shape_cast %broadcast_in_dim3A_10 : vector<16xf32> to vector<1x16xf32>
      tpu.vector_store %arg11[%swap3A_284, %swap3A_285], %swap3A_288 {strides = array<i32>} : memref<80x128xf32, #tpu.memory_space<vmem>>, vector<1x16xf32>,
      %swap3A_289 = arith.index_cast %scan3A_264 : i32 to index
      %swap3A_290 = arith.constant 80 : index
      %swap3A_291 = tpu.vector_load %arg11[%swap3A_289, %swap3A_290] {strides = array<i32>} : memref<80x128xf32, #tpu.memory_space<vmem>>, vector<1x16xf32>,
      %swap3A_292 = vector.shape_cast %swap3A_291 : vector<1x16xf32> to vector<16xf32>
      %swap3A_293 = vector.shape_cast %broadcast_in_dim3A_10 : vector<16xf32> to vector<1x16xf32>
      tpu.vector_store %arg11[%swap3A_289, %swap3A_290], %swap3A_293 {strides = array<i32>} : memref<80x128xf32, #tpu.memory_space<vmem>>, vector<1x16xf32>,
      %swap3A_294 = arith.index_cast %scan3A_264 : i32 to index
      %swap3A_295 = arith.constant 96 : index
      %swap3A_296 = tpu.vector_load %arg11[%swap3A_294, %swap3A_295] {strides = array<i32>} : memref<80x128xf32, #tpu.memory_space<vmem>>, vector<1x16xf32>,
      %swap3A_297 = vector.shape_cast %swap3A_296 : vector<1x16xf32> to vector<16xf32>
      %swap3A_298 = vector.shape_cast %broadcast_in_dim3A_10 : vector<16xf32> to vector<1x16xf32>
      tpu.vector_store %arg11[%swap3A_294, %swap3A_295], %swap3A_298 {strides = array<i32>} : memref<80x128xf32, #tpu.memory_space<vmem>>, vector<1x16xf32>,
      %swap3A_299 = arith.index_cast %scan3A_264 : i32 to index
      %swap3A_300 = arith.constant 112 : index
      %swap3A_301 = tpu.vector_load %arg11[%swap3A_299, %swap3A_300] {strides = array<i32>} : memref<80x128xf32, #tpu.memory_space<vmem>>, vector<1x16xf32>,
      %swap3A_302 = vector.shape_cast %swap3A_301 : vector<1x16xf32> to vector<16xf32>
      %swap3A_303 = vector.shape_cast %broadcast_in_dim3A_10 : vector<16xf32> to vector<1x16xf32>
      tpu.vector_store %arg11[%swap3A_299, %swap3A_300], %swap3A_303 {strides = array<i32>} : memref<80x128xf32, #tpu.memory_space<vmem>>, vector<1x16xf32>,
    }
    %scan3A_15 = arith.constant 80 : i32
    %mul3A_16 = arith.constant 624 : i32
    %mul3A_17 = arith.muli %arg1, %mul3A_16 : i32
    %add3A_18 = arith.constant 0 : i32
    %add3A_19 = arith.addi %mul3A_17, %add3A_18 : i32
    %dma_start3A_20 = arith.constant 0 : i32
    %dma_start3A_21 = tpu.memref_slice %arg14[%add3A_19, %dma_start3A_20] : memref<10000x128xf32, #tpu.memory_space<vmem_shared>> -> memref<80x128xf32, #tpu.memory_space<vmem_shared>>
    %dma_start3A_22 = arith.constant 0 : i32
    %dma_start3A_23 = tpu.memref_slice %arg14[%add3A_19, %dma_start3A_22] : memref<10000x128xf32, #tpu.memory_space<vmem_shared>> -> memref<80x128xf32, #tpu.memory_space<vmem_shared>>
    tpu.enqueue_dma source(%arg11 : memref<80x128xf32, #tpu.memory_space<vmem>>) target(%dma_start3A_23 : memref<80x128xf32, #tpu.memory_space<vmem_shared>>) target_semaphore(%arg19 : memref<!tpu.dma_semaphore, #tpu.memory_space<semaphore_mem>>)
    %add3A_24 = arith.constant 80 : i32
    %add3A_25 = arith.addi %mul3A_17, %add3A_24 : i32
    %dma_start3A_26 = arith.constant 0 : i32
    %dma_start3A_27 = tpu.memref_slice %arg14[%add3A_25, %dma_start3A_26] : memref<10000x128xf32, #tpu.memory_space<vmem_shared>> -> memref<80x128xf32, #tpu.memory_space<vmem_shared>>
    %dma_start3A_28 = arith.constant 0 : i32
    %dma_start3A_29 = tpu.memref_slice %arg14[%add3A_25, %dma_start3A_28] : memref<10000x128xf32, #tpu.memory_space<vmem_shared>> -> memref<80x128xf32, #tpu.memory_space<vmem_shared>>
    tpu.enqueue_dma source(%arg11 : memref<80x128xf32, #tpu.memory_space<vmem>>) target(%dma_start3A_29 : memref<80x128xf32, #tpu.memory_space<vmem_shared>>) target_semaphore(%arg19 : memref<!tpu.dma_semaphore, #tpu.memory_space<semaphore_mem>>)
    %add3A_30 = arith.constant 160 : i32
    %add3A_31 = arith.addi %mul3A_17, %add3A_30 : i32
    %dma_start3A_32 = arith.constant 0 : i32
    %dma_start3A_33 = tpu.memref_slice %arg14[%add3A_31, %dma_start3A_32] : memref<10000x128xf32, #tpu.memory_space<vmem_shared>> -> memref<80x128xf32, #tpu.memory_space<vmem_shared>>
    %dma_start3A_34 = arith.constant 0 : i32
    %dma_start3A_35 = tpu.memref_slice %arg14[%add3A_31, %dma_start3A_34] : memref<10000x128xf32, #tpu.memory_space<vmem_shared>> -> memref<80x128xf32, #tpu.memory_space<vmem_shared>>
    tpu.enqueue_dma source(%arg11 : memref<80x128xf32, #tpu.memory_space<vmem>>) target(%dma_start3A_35 : memref<80x128xf32, #tpu.memory_space<vmem_shared>>) target_semaphore(%arg19 : memref<!tpu.dma_semaphore, #tpu.memory_space<semaphore_mem>>)
    %add3A_36 = arith.constant 240 : i32
    %add3A_37 = arith.addi %mul3A_17, %add3A_36 : i32
    %dma_start3A_38 = arith.constant 0 : i32
    %dma_start3A_39 = tpu.memref_slice %arg14[%add3A_37, %dma_start3A_38] : memref<10000x128xf32, #tpu.memory_space<vmem_shared>> -> memref<80x128xf32, #tpu.memory_space<vmem_shared>>
    %dma_start3A_40 = arith.constant 0 : i32
    %dma_start3A_41 = tpu.memref_slice %arg14[%add3A_37, %dma_start3A_40] : memref<10000x128xf32, #tpu.memory_space<vmem_shared>> -> memref<80x128xf32, #tpu.memory_space<vmem_shared>>
    tpu.enqueue_dma source(%arg11 : memref<80x128xf32, #tpu.memory_space<vmem>>) target(%dma_start3A_41 : memref<80x128xf32, #tpu.memory_space<vmem_shared>>) target_semaphore(%arg19 : memref<!tpu.dma_semaphore, #tpu.memory_space<semaphore_mem>>)
    %add3A_42 = arith.constant 320 : i32
    %add3A_43 = arith.addi %mul3A_17, %add3A_42 : i32
    %dma_start3A_44 = arith.constant 0 : i32
    %dma_start3A_45 = tpu.memref_slice %arg14[%add3A_43, %dma_start3A_44] : memref<10000x128xf32, #tpu.memory_space<vmem_shared>> -> memref<80x128xf32, #tpu.memory_space<vmem_shared>>
    %dma_start3A_46 = arith.constant 0 : i32
    %dma_start3A_47 = tpu.memref_slice %arg14[%add3A_43, %dma_start3A_46] : memref<10000x128xf32, #tpu.memory_space<vmem_shared>> -> memref<80x128xf32, #tpu.memory_space<vmem_shared>>
    tpu.enqueue_dma source(%arg11 : memref<80x128xf32, #tpu.memory_space<vmem>>) target(%dma_start3A_47 : memref<80x128xf32, #tpu.memory_space<vmem_shared>>) target_semaphore(%arg19 : memref<!tpu.dma_semaphore, #tpu.memory_space<semaphore_mem>>)
    %add3A_48 = arith.constant 400 : i32
    %add3A_49 = arith.addi %mul3A_17, %add3A_48 : i32
    %dma_start3A_50 = arith.constant 0 : i32
    %dma_start3A_51 = tpu.memref_slice %arg14[%add3A_49, %dma_start3A_50] : memref<10000x128xf32, #tpu.memory_space<vmem_shared>> -> memref<80x128xf32, #tpu.memory_space<vmem_shared>>
    %dma_start3A_52 = arith.constant 0 : i32
    %dma_start3A_53 = tpu.memref_slice %arg14[%add3A_49, %dma_start3A_52] : memref<10000x128xf32, #tpu.memory_space<vmem_shared>> -> memref<80x128xf32, #tpu.memory_space<vmem_shared>>
    tpu.enqueue_dma source(%arg11 : memref<80x128xf32, #tpu.memory_space<vmem>>) target(%dma_start3A_53 : memref<80x128xf32, #tpu.memory_space<vmem_shared>>) target_semaphore(%arg19 : memref<!tpu.dma_semaphore, #tpu.memory_space<semaphore_mem>>)
    %add3A_54 = arith.constant 480 : i32
    %add3A_55 = arith.addi %mul3A_17, %add3A_54 : i32
    %dma_start3A_56 = arith.constant 0 : i32
    %dma_start3A_57 = tpu.memref_slice %arg14[%add3A_55, %dma_start3A_56] : memref<10000x128xf32, #tpu.memory_space<vmem_shared>> -> memref<80x128xf32, #tpu.memory_space<vmem_shared>>
    %dma_start3A_58 = arith.constant 0 : i32
    %dma_start3A_59 = tpu.memref_slice %arg14[%add3A_55, %dma_start3A_58] : memref<10000x128xf32, #tpu.memory_space<vmem_shared>> -> memref<80x128xf32, #tpu.memory_space<vmem_shared>>
    tpu.enqueue_dma source(%arg11 : memref<80x128xf32, #tpu.memory_space<vmem>>) target(%dma_start3A_59 : memref<80x128xf32, #tpu.memory_space<vmem_shared>>) target_semaphore(%arg19 : memref<!tpu.dma_semaphore, #tpu.memory_space<semaphore_mem>>)
    %add3A_60 = arith.constant 624 : i32
    %add3A_61 = arith.addi %mul3A_17, %add3A_60 : i32
    %sub3A_62 = arith.constant 64 : i32
    %sub3A_63 = arith.subi %add3A_61, %sub3A_62 : i32
    %dma_start3A_64 = arith.constant 0 : i32
    %dma_start3A_65 = arith.constant 0 : i32
    %dma_start3A_66 = tpu.memref_slice %arg11[%dma_start3A_64, %dma_start3A_65] : memref<80x128xf32, #tpu.memory_space<vmem>> -> memref<64x128xf32, #tpu.memory_space<vmem>>
    %dma_start3A_67 = arith.constant 0 : i32
    %dma_start3A_68 = tpu.memref_slice %arg14[%sub3A_63, %dma_start3A_67] : memref<10000x128xf32, #tpu.memory_space<vmem_shared>> -> memref<64x128xf32, #tpu.memory_space<vmem_shared>>
    %dma_start3A_69 = arith.constant 0 : i32
    %dma_start3A_70 = tpu.memref_slice %arg14[%sub3A_63, %dma_start3A_69] : memref<10000x128xf32, #tpu.memory_space<vmem_shared>> -> memref<64x128xf32, #tpu.memory_space<vmem_shared>>
    %dma_start3A_71 = arith.constant 0 : i32
    %dma_start3A_72 = arith.constant 0 : i32
    %dma_start3A_73 = tpu.memref_slice %arg11[%dma_start3A_71, %dma_start3A_72] : memref<80x128xf32, #tpu.memory_space<vmem>> -> memref<64x128xf32, #tpu.memory_space<vmem>>
    tpu.enqueue_dma source(%dma_start3A_73 : memref<64x128xf32, #tpu.memory_space<vmem>>) target(%dma_start3A_70 : memref<64x128xf32, #tpu.memory_space<vmem_shared>>) target_semaphore(%arg19 : memref<!tpu.dma_semaphore, #tpu.memory_space<semaphore_mem>>)
    %eq3A = arith.constant 0 : i32
    %eq3A_74 = arith.cmpi eq, %arg1, %eq3A : i32
    %convert_element_type3A = arith.extui %eq3A_74 : i1 to i32
    %cond3A = arith.constant 0 : i32
    %cond3A_75 = arith.cmpi ne, %convert_element_type3A, %cond3A : i32
    scf.if %cond3A_75 {
      %dma_start3A_264 = arith.constant 0 : i32
      %dma_start3A_265 = arith.constant 0 : i32
      %dma_start3A_266 = tpu.memref_slice %arg11[%dma_start3A_264, %dma_start3A_265] : memref<80x128xf32, #tpu.memory_space<vmem>> -> memref<16x128xf32, #tpu.memory_space<vmem>>
      %dma_start3A_267 = arith.constant 9984 : i32
      %dma_start3A_268 = arith.constant 0 : i32
      %dma_start3A_269 = tpu.memref_slice %arg14[%dma_start3A_267, %dma_start3A_268] : memref<10000x128xf32, #tpu.memory_space<vmem_shared>> -> memref<16x128xf32, #tpu.memory_space<vmem_shared>>
      %dma_start3A_270 = arith.constant 9984 : i32
      %dma_start3A_271 = arith.constant 0 : i32
      %dma_start3A_272 = tpu.memref_slice %arg14[%dma_start3A_270, %dma_start3A_271] : memref<10000x128xf32, #tpu.memory_space<vmem_shared>> -> memref<16x128xf32, #tpu.memory_space<vmem_shared>>
      %dma_start3A_273 = arith.constant 0 : i32
      %dma_start3A_274 = arith.constant 0 : i32
      %dma_start3A_275 = tpu.memref_slice %arg11[%dma_start3A_273, %dma_start3A_274] : memref<80x128xf32, #tpu.memory_space<vmem>> -> memref<16x128xf32, #tpu.memory_space<vmem>>
      tpu.enqueue_dma source(%dma_start3A_275 : memref<16x128xf32, #tpu.memory_space<vmem>>) target(%dma_start3A_272 : memref<16x128xf32, #tpu.memory_space<vmem_shared>>) target_semaphore(%arg20 : memref<!tpu.dma_semaphore, #tpu.memory_space<semaphore_mem>>)
      %dma_wait3A_276 = arith.constant 0 : i32
      %dma_wait3A_277 = arith.constant 0 : i32
      %dma_wait3A_278 = tpu.memref_slice %arg11[%dma_wait3A_276, %dma_wait3A_277] : memref<80x128xf32, #tpu.memory_space<vmem>> -> memref<16x128xf32, #tpu.memory_space<vmem>>
      %dma_wait3A_279 = arith.constant 9984 : i32
      %dma_wait3A_280 = arith.constant 0 : i32
      %dma_wait3A_281 = tpu.memref_slice %arg14[%dma_wait3A_279, %dma_wait3A_280] : memref<10000x128xf32, #tpu.memory_space<vmem_shared>> -> memref<16x128xf32, #tpu.memory_space<vmem_shared>>
      %dma_wait3A_282 = arith.constant 9984 : i32
      %dma_wait3A_283 = arith.constant 0 : i32
      %dma_wait3A_284 = tpu.memref_slice %arg14[%dma_wait3A_282, %dma_wait3A_283] : memref<10000x128xf32, #tpu.memory_space<vmem_shared>> -> memref<16x128xf32, #tpu.memory_space<vmem_shared>>
      %dma_wait3A_285 = arith.constant 0 : i32
      %dma_wait3A_286 = arith.constant 0 : i32
      %dma_wait3A_287 = tpu.memref_slice %arg11[%dma_wait3A_285, %dma_wait3A_286] : memref<80x128xf32, #tpu.memory_space<vmem>> -> memref<16x128xf32, #tpu.memory_space<vmem>>
      tpu.wait_dma2 semaphore(%arg20 : memref<!tpu.dma_semaphore, #tpu.memory_space<semaphore_mem>>) src(%dma_wait3A_287 : memref<16x128xf32, #tpu.memory_space<vmem>>) dst(%dma_wait3A_284 : memref<16x128xf32, #tpu.memory_space<vmem_shared>>)
    } else {
    }
    %dma_wait3A = tpu.memref_slice %arg7[%multiple_of3A_6] : memref<10240xi32, #tpu.memory_space<vmem>> -> memref<10000xi32, #tpu.memory_space<vmem>>
    %dma_wait3A_76 = tpu.memref_slice %arg6[%mul3A_2] : memref<320000xi32, #tpu.memory_space<hbm>> -> memref<10000xi32, #tpu.memory_space<hbm>>
    %dma_wait3A_77 = tpu.memref_slice %arg6[%mul3A_2] : memref<320000xi32, #tpu.memory_space<hbm>> -> memref<10000xi32, #tpu.memory_space<hbm>>
    %dma_wait3A_78 = tpu.memref_slice %arg7[%multiple_of3A_6] : memref<10240xi32, #tpu.memory_space<vmem>> -> memref<10000xi32, #tpu.memory_space<vmem>>
    tpu.wait_dma2 semaphore(%arg18 : memref<!tpu.dma_semaphore, #tpu.memory_space<semaphore_mem>>) src(%dma_wait3A_78 : memref<10000xi32, #tpu.memory_space<vmem>>) dst(%dma_wait3A_77 : memref<10000xi32, #tpu.memory_space<hbm>>)
    %dma_wait3A_79 = arith.constant 0 : i32
    %dma_wait3A_80 = tpu.memref_slice %arg14[%add3A_19, %dma_wait3A_79] : memref<10000x128xf32, #tpu.memory_space<vmem_shared>> -> memref<80x128xf32, #tpu.memory_space<vmem_shared>>
    %dma_wait3A_81 = arith.constant 0 : i32
    %dma_wait3A_82 = tpu.memref_slice %arg14[%add3A_19, %dma_wait3A_81] : memref<10000x128xf32, #tpu.memory_space<vmem_shared>> -> memref<80x128xf32, #tpu.memory_space<vmem_shared>>
    tpu.wait_dma2 semaphore(%arg19 : memref<!tpu.dma_semaphore, #tpu.memory_space<semaphore_mem>>) src(%arg11 : memref<80x128xf32, #tpu.memory_space<vmem>>) dst(%dma_wait3A_82 : memref<80x128xf32, #tpu.memory_space<vmem_shared>>)
    %dma_wait3A_83 = arith.constant 0 : i32
    %dma_wait3A_84 = tpu.memref_slice %arg14[%add3A_25, %dma_wait3A_83] : memref<10000x128xf32, #tpu.memory_space<vmem_shared>> -> memref<80x128xf32, #tpu.memory_space<vmem_shared>>
    %dma_wait3A_85 = arith.constant 0 : i32
    %dma_wait3A_86 = tpu.memref_slice %arg14[%add3A_25, %dma_wait3A_85] : memref<10000x128xf32, #tpu.memory_space<vmem_shared>> -> memref<80x128xf32, #tpu.memory_space<vmem_shared>>
    tpu.wait_dma2 semaphore(%arg19 : memref<!tpu.dma_semaphore, #tpu.memory_space<semaphore_mem>>) src(%arg11 : memref<80x128xf32, #tpu.memory_space<vmem>>) dst(%dma_wait3A_86 : memref<80x128xf32, #tpu.memory_space<vmem_shared>>)
    %dma_wait3A_87 = arith.constant 0 : i32
    %dma_wait3A_88 = tpu.memref_slice %arg14[%add3A_31, %dma_wait3A_87] : memref<10000x128xf32, #tpu.memory_space<vmem_shared>> -> memref<80x128xf32, #tpu.memory_space<vmem_shared>>
    %dma_wait3A_89 = arith.constant 0 : i32
    %dma_wait3A_90 = tpu.memref_slice %arg14[%add3A_31, %dma_wait3A_89] : memref<10000x128xf32, #tpu.memory_space<vmem_shared>> -> memref<80x128xf32, #tpu.memory_space<vmem_shared>>
    tpu.wait_dma2 semaphore(%arg19 : memref<!tpu.dma_semaphore, #tpu.memory_space<semaphore_mem>>) src(%arg11 : memref<80x128xf32, #tpu.memory_space<vmem>>) dst(%dma_wait3A_90 : memref<80x128xf32, #tpu.memory_space<vmem_shared>>)
    %dma_wait3A_91 = arith.constant 0 : i32
    %dma_wait3A_92 = tpu.memref_slice %arg14[%add3A_37, %dma_wait3A_91] : memref<10000x128xf32, #tpu.memory_space<vmem_shared>> -> memref<80x128xf32, #tpu.memory_space<vmem_shared>>
    %dma_wait3A_93 = arith.constant 0 : i32
    %dma_wait3A_94 = tpu.memref_slice %arg14[%add3A_37, %dma_wait3A_93] : memref<10000x128xf32, #tpu.memory_space<vmem_shared>> -> memref<80x128xf32, #tpu.memory_space<vmem_shared>>
    tpu.wait_dma2 semaphore(%arg19 : memref<!tpu.dma_semaphore, #tpu.memory_space<semaphore_mem>>) src(%arg11 : memref<80x128xf32, #tpu.memory_space<vmem>>) dst(%dma_wait3A_94 : memref<80x128xf32, #tpu.memory_space<vmem_shared>>)
    %dma_wait3A_95 = arith.constant 0 : i32
    %dma_wait3A_96 = tpu.memref_slice %arg14[%add3A_43, %dma_wait3A_95] : memref<10000x128xf32, #tpu.memory_space<vmem_shared>> -> memref<80x128xf32, #tpu.memory_space<vmem_shared>>
    %dma_wait3A_97 = arith.constant 0 : i32
    %dma_wait3A_98 = tpu.memref_slice %arg14[%add3A_43, %dma_wait3A_97] : memref<10000x128xf32, #tpu.memory_space<vmem_shared>> -> memref<80x128xf32, #tpu.memory_space<vmem_shared>>
    tpu.wait_dma2 semaphore(%arg19 : memref<!tpu.dma_semaphore, #tpu.memory_space<semaphore_mem>>) src(%arg11 : memref<80x128xf32, #tpu.memory_space<vmem>>) dst(%dma_wait3A_98 : memref<80x128xf32, #tpu.memory_space<vmem_shared>>)
    %dma_wait3A_99 = arith.constant 0 : i32
    %dma_wait3A_100 = tpu.memref_slice %arg14[%add3A_49, %dma_wait3A_99] : memref<10000x128xf32, #tpu.memory_space<vmem_shared>> -> memref<80x128xf32, #tpu.memory_space<vmem_shared>>
    %dma_wait3A_101 = arith.constant 0 : i32
    %dma_wait3A_102 = tpu.memref_slice %arg14[%add3A_49, %dma_wait3A_101] : memref<10000x128xf32, #tpu.memory_space<vmem_shared>> -> memref<80x128xf32, #tpu.memory_space<vmem_shared>>
    tpu.wait_dma2 semaphore(%arg19 : memref<!tpu.dma_semaphore, #tpu.memory_space<semaphore_mem>>) src(%arg11 : memref<80x128xf32, #tpu.memory_space<vmem>>) dst(%dma_wait3A_102 : memref<80x128xf32, #tpu.memory_space<vmem_shared>>)
    %dma_wait3A_103 = arith.constant 0 : i32
    %dma_wait3A_104 = tpu.memref_slice %arg14[%add3A_55, %dma_wait3A_103] : memref<10000x128xf32, #tpu.memory_space<vmem_shared>> -> memref<80x128xf32, #tpu.memory_space<vmem_shared>>
    %dma_wait3A_105 = arith.constant 0 : i32
    %dma_wait3A_106 = tpu.memref_slice %arg14[%add3A_55, %dma_wait3A_105] : memref<10000x128xf32, #tpu.memory_space<vmem_shared>> -> memref<80x128xf32, #tpu.memory_space<vmem_shared>>
    tpu.wait_dma2 semaphore(%arg19 : memref<!tpu.dma_semaphore, #tpu.memory_space<semaphore_mem>>) src(%arg11 : memref<80x128xf32, #tpu.memory_space<vmem>>) dst(%dma_wait3A_106 : memref<80x128xf32, #tpu.memory_space<vmem_shared>>)
    %dma_wait3A_107 = arith.constant 0 : i32
    %dma_wait3A_108 = arith.constant 0 : i32
    %dma_wait3A_109 = tpu.memref_slice %arg11[%dma_wait3A_107, %dma_wait3A_108] : memref<80x128xf32, #tpu.memory_space<vmem>> -> memref<64x128xf32, #tpu.memory_space<vmem>>
    %dma_wait3A_110 = arith.constant 0 : i32
    %dma_wait3A_111 = tpu.memref_slice %arg14[%sub3A_63, %dma_wait3A_110] : memref<10000x128xf32, #tpu.memory_space<vmem_shared>> -> memref<64x128xf32, #tpu.memory_space<vmem_shared>>
    %dma_wait3A_112 = arith.constant 0 : i32
    %dma_wait3A_113 = tpu.memref_slice %arg14[%sub3A_63, %dma_wait3A_112] : memref<10000x128xf32, #tpu.memory_space<vmem_shared>> -> memref<64x128xf32, #tpu.memory_space<vmem_shared>>
    %dma_wait3A_114 = arith.constant 0 : i32
    %dma_wait3A_115 = arith.constant 0 : i32
    %dma_wait3A_116 = tpu.memref_slice %arg11[%dma_wait3A_114, %dma_wait3A_115] : memref<80x128xf32, #tpu.memory_space<vmem>> -> memref<64x128xf32, #tpu.memory_space<vmem>>
    tpu.wait_dma2 semaphore(%arg19 : memref<!tpu.dma_semaphore, #tpu.memory_space<semaphore_mem>>) src(%dma_wait3A_116 : memref<64x128xf32, #tpu.memory_space<vmem>>) dst(%dma_wait3A_113 : memref<64x128xf32, #tpu.memory_space<vmem_shared>>)
    %add3A_117 = arith.constant 0 : i32
    %add3A_118 = arith.addi %mul3A_2, %add3A_117 : i32
    %dma_start3A_119 = tpu.memref_slice %arg6[%add3A_118] : memref<320000xi32, #tpu.memory_space<hbm>> -> memref<80xi32, #tpu.memory_space<hbm>>
    %dma_start3A_120 = tpu.memref_slice %arg6[%add3A_118] : memref<320000xi32, #tpu.memory_space<hbm>> -> memref<80xi32, #tpu.memory_space<hbm>>
    tpu.enqueue_dma source(%dma_start3A_120 : memref<80xi32, #tpu.memory_space<hbm>>) target(%arg8 : memref<80xi32, #tpu.memory_space<vmem>>) target_semaphore(%arg15 : memref<!tpu.dma_semaphore, #tpu.memory_space<semaphore_mem>>)
    %add3A_121 = arith.constant 0 : i32
    %add3A_122 = arith.addi %mul3A_2, %add3A_121 : i32
    %dma_start3A_123 = arith.constant 0 : i32
    %dma_start3A_124 = tpu.memref_slice %arg3[%add3A_122, %dma_start3A_123] : memref<320000x128xf32, #tpu.memory_space<hbm>> -> memref<80x128xf32, #tpu.memory_space<hbm>>
    %dma_start3A_125 = arith.constant 0 : i32
    %dma_start3A_126 = tpu.memref_slice %arg3[%add3A_122, %dma_start3A_125] : memref<320000x128xf32, #tpu.memory_space<hbm>> -> memref<80x128xf32, #tpu.memory_space<hbm>>
    tpu.enqueue_dma source(%dma_start3A_126 : memref<80x128xf32, #tpu.memory_space<hbm>>) target(%arg11 : memref<80x128xf32, #tpu.memory_space<vmem>>) target_semaphore(%arg15 : memref<!tpu.dma_semaphore, #tpu.memory_space<semaphore_mem>>)
    %add3A_127 = arith.constant 80 : i32
    %add3A_128 = arith.addi %mul3A_2, %add3A_127 : i32
    %dma_start3A_129 = tpu.memref_slice %arg6[%add3A_128] : memref<320000xi32, #tpu.memory_space<hbm>> -> memref<80xi32, #tpu.memory_space<hbm>>
    %dma_start3A_130 = tpu.memref_slice %arg6[%add3A_128] : memref<320000xi32, #tpu.memory_space<hbm>> -> memref<80xi32, #tpu.memory_space<hbm>>
    tpu.enqueue_dma source(%dma_start3A_130 : memref<80xi32, #tpu.memory_space<hbm>>) target(%arg9 : memref<80xi32, #tpu.memory_space<vmem>>) target_semaphore(%arg16 : memref<!tpu.dma_semaphore, #tpu.memory_space<semaphore_mem>>)
    %add3A_131 = arith.constant 80 : i32
    %add3A_132 = arith.addi %mul3A_2, %add3A_131 : i32
    %dma_start3A_133 = arith.constant 0 : i32
    %dma_start3A_134 = tpu.memref_slice %arg3[%add3A_132, %dma_start3A_133] : memref<320000x128xf32, #tpu.memory_space<hbm>> -> memref<80x128xf32, #tpu.memory_space<hbm>>
    %dma_start3A_135 = arith.constant 0 : i32
    %dma_start3A_136 = tpu.memref_slice %arg3[%add3A_132, %dma_start3A_135] : memref<320000x128xf32, #tpu.memory_space<hbm>> -> memref<80x128xf32, #tpu.memory_space<hbm>>
    tpu.enqueue_dma source(%dma_start3A_136 : memref<80x128xf32, #tpu.memory_space<hbm>>) target(%arg12 : memref<80x128xf32, #tpu.memory_space<vmem>>) target_semaphore(%arg16 : memref<!tpu.dma_semaphore, #tpu.memory_space<semaphore_mem>>)
    %barrier3A = arith.constant 0 : index
    tpu.barrier barrier_id(%barrier3A)
    %dma_wait3A_137 = arith.constant 0 : i32
    %dma_wait3A_138 = tpu.memref_slice %arg6[%dma_wait3A_137] : memref<320000xi32, #tpu.memory_space<hbm>> -> memref<80xi32, #tpu.memory_space<hbm>>
    %dma_wait3A_139 = arith.constant 0 : i32
    %dma_wait3A_140 = tpu.memref_slice %arg6[%dma_wait3A_139] : memref<320000xi32, #tpu.memory_space<hbm>> -> memref<80xi32, #tpu.memory_space<hbm>>
    tpu.wait_dma2 semaphore(%arg15 : memref<!tpu.dma_semaphore, #tpu.memory_space<semaphore_mem>>) src(%dma_wait3A_140 : memref<80xi32, #tpu.memory_space<hbm>>) dst(%arg8 : memref<80xi32, #tpu.memory_space<vmem>>)
    %dma_wait3A_141 = arith.constant 0 : i32
    %dma_wait3A_142 = arith.constant 0 : i32
    %dma_wait3A_143 = tpu.memref_slice %arg3[%dma_wait3A_141, %dma_wait3A_142] : memref<320000x128xf32, #tpu.memory_space<hbm>> -> memref<80x128xf32, #tpu.memory_space<hbm>>
    %dma_wait3A_144 = arith.constant 0 : i32
    %dma_wait3A_145 = arith.constant 0 : i32
    %dma_wait3A_146 = tpu.memref_slice %arg3[%dma_wait3A_144, %dma_wait3A_145] : memref<320000x128xf32, #tpu.memory_space<hbm>> -> memref<80x128xf32, #tpu.memory_space<hbm>>
    tpu.wait_dma2 semaphore(%arg15 : memref<!tpu.dma_semaphore, #tpu.memory_space<semaphore_mem>>) src(%dma_wait3A_146 : memref<80x128xf32, #tpu.memory_space<hbm>>) dst(%arg11 : memref<80x128xf32, #tpu.memory_space<vmem>>)
    %dma_start3A_147 = arith.constant 0 : i32
    %dma_start3A_148 = arith.constant 0 : i32
    %dma_start3A_149 = tpu.memref_slice %arg14[%dma_start3A_147, %dma_start3A_148] : memref<10000x128xf32, #tpu.memory_space<vmem_shared>> -> memref<10000x128xf32, #tpu.memory_space<vmem_shared>>
    tpu.enqueue_indirect_dma source(%arg11 : memref<80x128xf32, #tpu.memory_space<vmem>>) target(%dma_start3A_149 : memref<10000x128xf32, #tpu.memory_space<vmem_shared>>) offsets(%arg8 : memref<80xi32, #tpu.memory_space<vmem>>) semaphore(%arg18 : memref<!tpu.dma_semaphore, #tpu.memory_space<semaphore_mem>>) {add = true}
    %add3A_150 = arith.constant 160 : i32
    %add3A_151 = arith.addi %mul3A_2, %add3A_150 : i32
    %dma_start3A_152 = tpu.memref_slice %arg6[%add3A_151] : memref<320000xi32, #tpu.memory_space<hbm>> -> memref<80xi32, #tpu.memory_space<hbm>>
    %dma_start3A_153 = tpu.memref_slice %arg6[%add3A_151] : memref<320000xi32, #tpu.memory_space<hbm>> -> memref<80xi32, #tpu.memory_space<hbm>>
    tpu.enqueue_dma source(%dma_start3A_153 : memref<80xi32, #tpu.memory_space<hbm>>) target(%arg10 : memref<80xi32, #tpu.memory_space<vmem>>) target_semaphore(%arg17 : memref<!tpu.dma_semaphore, #tpu.memory_space<semaphore_mem>>)
    %add3A_154 = arith.constant 160 : i32
    %add3A_155 = arith.addi %mul3A_2, %add3A_154 : i32
    %dma_start3A_156 = arith.constant 0 : i32
    %dma_start3A_157 = tpu.memref_slice %arg3[%add3A_155, %dma_start3A_156] : memref<320000x128xf32, #tpu.memory_space<hbm>> -> memref<80x128xf32, #tpu.memory_space<hbm>>
    %dma_start3A_158 = arith.constant 0 : i32
    %dma_start3A_159 = tpu.memref_slice %arg3[%add3A_155, %dma_start3A_158] : memref<320000x128xf32, #tpu.memory_space<hbm>> -> memref<80x128xf32, #tpu.memory_space<hbm>>
    tpu.enqueue_dma source(%dma_start3A_159 : memref<80x128xf32, #tpu.memory_space<hbm>>) target(%arg13 : memref<80x128xf32, #tpu.memory_space<vmem>>) target_semaphore(%arg17 : memref<!tpu.dma_semaphore, #tpu.memory_space<semaphore_mem>>)
    %dma_wait3A_160 = arith.constant 0 : i32
    %dma_wait3A_161 = tpu.memref_slice %arg6[%dma_wait3A_160] : memref<320000xi32, #tpu.memory_space<hbm>> -> memref<80xi32, #tpu.memory_space<hbm>>
    %dma_wait3A_162 = arith.constant 0 : i32
    %dma_wait3A_163 = tpu.memref_slice %arg6[%dma_wait3A_162] : memref<320000xi32, #tpu.memory_space<hbm>> -> memref<80xi32, #tpu.memory_space<hbm>>
    tpu.wait_dma2 semaphore(%arg16 : memref<!tpu.dma_semaphore, #tpu.memory_space<semaphore_mem>>) src(%dma_wait3A_163 : memref<80xi32, #tpu.memory_space<hbm>>) dst(%arg9 : memref<80xi32, #tpu.memory_space<vmem>>)
    %dma_wait3A_164 = arith.constant 0 : i32
    %dma_wait3A_165 = arith.constant 0 : i32
    %dma_wait3A_166 = tpu.memref_slice %arg3[%dma_wait3A_164, %dma_wait3A_165] : memref<320000x128xf32, #tpu.memory_space<hbm>> -> memref<80x128xf32, #tpu.memory_space<hbm>>
    %dma_wait3A_167 = arith.constant 0 : i32
    %dma_wait3A_168 = arith.constant 0 : i32
    %dma_wait3A_169 = tpu.memref_slice %arg3[%dma_wait3A_167, %dma_wait3A_168] : memref<320000x128xf32, #tpu.memory_space<hbm>> -> memref<80x128xf32, #tpu.memory_space<hbm>>
    tpu.wait_dma2 semaphore(%arg16 : memref<!tpu.dma_semaphore, #tpu.memory_space<semaphore_mem>>) src(%dma_wait3A_169 : memref<80x128xf32, #tpu.memory_space<hbm>>) dst(%arg12 : memref<80x128xf32, #tpu.memory_space<vmem>>)
    %dma_start3A_170 = arith.constant 0 : i32
    %dma_start3A_171 = arith.constant 0 : i32
    %dma_start3A_172 = tpu.memref_slice %arg14[%dma_start3A_170, %dma_start3A_171] : memref<10000x128xf32, #tpu.memory_space<vmem_shared>> -> memref<10000x128xf32, #tpu.memory_space<vmem_shared>>
    tpu.enqueue_indirect_dma source(%arg12 : memref<80x128xf32, #tpu.memory_space<vmem>>) target(%dma_start3A_172 : memref<10000x128xf32, #tpu.memory_space<vmem_shared>>) offsets(%arg9 : memref<80xi32, #tpu.memory_space<vmem>>) semaphore(%arg19 : memref<!tpu.dma_semaphore, #tpu.memory_space<semaphore_mem>>) {add = true}
    %dma_wait3A_173 = arith.constant 0 : i32
    %dma_wait3A_174 = arith.constant 0 : i32
    %dma_wait3A_175 = tpu.memref_slice %arg14[%dma_wait3A_173, %dma_wait3A_174] : memref<10000x128xf32, #tpu.memory_space<vmem_shared>> -> memref<10000x128xf32, #tpu.memory_space<vmem_shared>>
    tpu.wait_indirect_dma semaphore(%arg18 : memref<!tpu.dma_semaphore, #tpu.memory_space<semaphore_mem>>) src(%arg11 : memref<80x128xf32, #tpu.memory_space<vmem>>) dst(%dma_wait3A_175 : memref<10000x128xf32, #tpu.memory_space<vmem_shared>>)
    %add3A_176 = arith.constant 240 : i32
    %add3A_177 = arith.addi %mul3A_2, %add3A_176 : i32
    %dma_start3A_178 = tpu.memref_slice %arg6[%add3A_177] : memref<320000xi32, #tpu.memory_space<hbm>> -> memref<80xi32, #tpu.memory_space<hbm>>
    %dma_start3A_179 = tpu.memref_slice %arg6[%add3A_177] : memref<320000xi32, #tpu.memory_space<hbm>> -> memref<80xi32, #tpu.memory_space<hbm>>
    tpu.enqueue_dma source(%dma_start3A_179 : memref<80xi32, #tpu.memory_space<hbm>>) target(%arg8 : memref<80xi32, #tpu.memory_space<vmem>>) target_semaphore(%arg15 : memref<!tpu.dma_semaphore, #tpu.memory_space<semaphore_mem>>)
    %add3A_180 = arith.constant 240 : i32
    %add3A_181 = arith.addi %mul3A_2, %add3A_180 : i32
    %dma_start3A_182 = arith.constant 0 : i32
    %dma_start3A_183 = tpu.memref_slice %arg3[%add3A_181, %dma_start3A_182] : memref<320000x128xf32, #tpu.memory_space<hbm>> -> memref<80x128xf32, #tpu.memory_space<hbm>>
    %dma_start3A_184 = arith.constant 0 : i32
    %dma_start3A_185 = tpu.memref_slice %arg3[%add3A_181, %dma_start3A_184] : memref<320000x128xf32, #tpu.memory_space<hbm>> -> memref<80x128xf32, #tpu.memory_space<hbm>>
    tpu.enqueue_dma source(%dma_start3A_185 : memref<80x128xf32, #tpu.memory_space<hbm>>) target(%arg11 : memref<80x128xf32, #tpu.memory_space<vmem>>) target_semaphore(%arg15 : memref<!tpu.dma_semaphore, #tpu.memory_space<semaphore_mem>>)
    %scan3A_186 = arith.constant 0 : i32
    %scan3A_187 = arith.constant 0 : i32
    %scan3A_188 = arith.constant 40 : i32
    %scan3A_189 = arith.addi %scan3A_187, %scan3A_188 : i32
    %scan3A_190 = arith.constant 1 : i32
    scf.for %scan3A_264 = %scan3A_187 to %scan3A_189 step %scan3A_190  : i32 {
      %mul3A_265 = arith.constant 3 : i32
      %mul3A_266 = arith.muli %mul3A_265, %scan3A_264 : i32
      %add3A_267 = arith.constant 2 : i32
      %add3A_268 = arith.addi %mul3A_266, %add3A_267 : i32
      %dma_wait3A_269 = arith.constant 0 : i32
      %dma_wait3A_270 = tpu.memref_slice %arg6[%dma_wait3A_269] : memref<320000xi32, #tpu.memory_space<hbm>> -> memref<80xi32, #tpu.memory_space<hbm>>
      %dma_wait3A_271 = arith.constant 0 : i32
      %dma_wait3A_272 = tpu.memref_slice %arg6[%dma_wait3A_271] : memref<320000xi32, #tpu.memory_space<hbm>> -> memref<80xi32, #tpu.memory_space<hbm>>
      tpu.wait_dma2 semaphore(%arg17 : memref<!tpu.dma_semaphore, #tpu.memory_space<semaphore_mem>>) src(%dma_wait3A_272 : memref<80xi32, #tpu.memory_space<hbm>>) dst(%arg10 : memref<80xi32, #tpu.memory_space<vmem>>)
      %dma_wait3A_273 = arith.constant 0 : i32
      %dma_wait3A_274 = arith.constant 0 : i32
      %dma_wait3A_275 = tpu.memref_slice %arg3[%dma_wait3A_273, %dma_wait3A_274] : memref<320000x128xf32, #tpu.memory_space<hbm>> -> memref<80x128xf32, #tpu.memory_space<hbm>>
      %dma_wait3A_276 = arith.constant 0 : i32
      %dma_wait3A_277 = arith.constant 0 : i32
      %dma_wait3A_278 = tpu.memref_slice %arg3[%dma_wait3A_276, %dma_wait3A_277] : memref<320000x128xf32, #tpu.memory_space<hbm>> -> memref<80x128xf32, #tpu.memory_space<hbm>>
      tpu.wait_dma2 semaphore(%arg17 : memref<!tpu.dma_semaphore, #tpu.memory_space<semaphore_mem>>) src(%dma_wait3A_278 : memref<80x128xf32, #tpu.memory_space<hbm>>) dst(%arg13 : memref<80x128xf32, #tpu.memory_space<vmem>>)
      %dma_start3A_279 = arith.constant 0 : i32
      %dma_start3A_280 = arith.constant 0 : i32
      %dma_start3A_281 = tpu.memref_slice %arg14[%dma_start3A_279, %dma_start3A_280] : memref<10000x128xf32, #tpu.memory_space<vmem_shared>> -> memref<10000x128xf32, #tpu.memory_space<vmem_shared>>
      tpu.enqueue_indirect_dma source(%arg13 : memref<80x128xf32, #tpu.memory_space<vmem>>) target(%dma_start3A_281 : memref<10000x128xf32, #tpu.memory_space<vmem_shared>>) offsets(%arg10 : memref<80xi32, #tpu.memory_space<vmem>>) semaphore(%arg20 : memref<!tpu.dma_semaphore, #tpu.memory_space<semaphore_mem>>) {add = true}
      %dma_wait3A_282 = arith.constant 0 : i32
      %dma_wait3A_283 = arith.constant 0 : i32
      %dma_wait3A_284 = tpu.memref_slice %arg14[%dma_wait3A_282, %dma_wait3A_283] : memref<10000x128xf32, #tpu.memory_space<vmem_shared>> -> memref<10000x128xf32, #tpu.memory_space<vmem_shared>>
      tpu.wait_indirect_dma semaphore(%arg19 : memref<!tpu.dma_semaphore, #tpu.memory_space<semaphore_mem>>) src(%arg12 : memref<80x128xf32, #tpu.memory_space<vmem>>) dst(%dma_wait3A_284 : memref<10000x128xf32, #tpu.memory_space<vmem_shared>>)
      %add3A_285 = arith.constant 0 : i32
      %add3A_286 = arith.addi %add3A_268, %add3A_285 : i32
      %add3A_287 = arith.constant 2 : i32
      %add3A_288 = arith.addi %add3A_286, %add3A_287 : i32
      %mul3A_289 = arith.constant 80 : i32
      %mul3A_290 = arith.muli %add3A_288, %mul3A_289 : i32
      %add3A_291 = arith.addi %mul3A_2, %mul3A_290 : i32
      %dma_start3A_292 = tpu.memref_slice %arg6[%add3A_291] : memref<320000xi32, #tpu.memory_space<hbm>> -> memref<80xi32, #tpu.memory_space<hbm>>
      %dma_start3A_293 = tpu.memref_slice %arg6[%add3A_291] : memref<320000xi32, #tpu.memory_space<hbm>> -> memref<80xi32, #tpu.memory_space<hbm>>
      tpu.enqueue_dma source(%dma_start3A_293 : memref<80xi32, #tpu.memory_space<hbm>>) target(%arg9 : memref<80xi32, #tpu.memory_space<vmem>>) target_semaphore(%arg16 : memref<!tpu.dma_semaphore, #tpu.memory_space<semaphore_mem>>)
      %mul3A_294 = arith.constant 80 : i32
      %mul3A_295 = arith.muli %add3A_288, %mul3A_294 : i32
      %add3A_296 = arith.addi %mul3A_2, %mul3A_295 : i32
      %dma_start3A_297 = arith.constant 0 : i32
      %dma_start3A_298 = tpu.memref_slice %arg3[%add3A_296, %dma_start3A_297] : memref<320000x128xf32, #tpu.memory_space<hbm>> -> memref<80x128xf32, #tpu.memory_space<hbm>>
      %dma_start3A_299 = arith.constant 0 : i32
      %dma_start3A_300 = tpu.memref_slice %arg3[%add3A_296, %dma_start3A_299] : memref<320000x128xf32, #tpu.memory_space<hbm>> -> memref<80x128xf32, #tpu.memory_space<hbm>>
      tpu.enqueue_dma source(%dma_start3A_300 : memref<80x128xf32, #tpu.memory_space<hbm>>) target(%arg12 : memref<80x128xf32, #tpu.memory_space<vmem>>) target_semaphore(%arg16 : memref<!tpu.dma_semaphore, #tpu.memory_space<semaphore_mem>>)
      %dma_wait3A_301 = arith.constant 0 : i32
      %dma_wait3A_302 = tpu.memref_slice %arg6[%dma_wait3A_301] : memref<320000xi32, #tpu.memory_space<hbm>> -> memref<80xi32, #tpu.memory_space<hbm>>
      %dma_wait3A_303 = arith.constant 0 : i32
      %dma_wait3A_304 = tpu.memref_slice %arg6[%dma_wait3A_303] : memref<320000xi32, #tpu.memory_space<hbm>> -> memref<80xi32, #tpu.memory_space<hbm>>
      tpu.wait_dma2 semaphore(%arg15 : memref<!tpu.dma_semaphore, #tpu.memory_space<semaphore_mem>>) src(%dma_wait3A_304 : memref<80xi32, #tpu.memory_space<hbm>>) dst(%arg8 : memref<80xi32, #tpu.memory_space<vmem>>)
      %dma_wait3A_305 = arith.constant 0 : i32
      %dma_wait3A_306 = arith.constant 0 : i32
      %dma_wait3A_307 = tpu.memref_slice %arg3[%dma_wait3A_305, %dma_wait3A_306] : memref<320000x128xf32, #tpu.memory_space<hbm>> -> memref<80x128xf32, #tpu.memory_space<hbm>>
      %dma_wait3A_308 = arith.constant 0 : i32
      %dma_wait3A_309 = arith.constant 0 : i32
      %dma_wait3A_310 = tpu.memref_slice %arg3[%dma_wait3A_308, %dma_wait3A_309] : memref<320000x128xf32, #tpu.memory_space<hbm>> -> memref<80x128xf32, #tpu.memory_space<hbm>>
      tpu.wait_dma2 semaphore(%arg15 : memref<!tpu.dma_semaphore, #tpu.memory_space<semaphore_mem>>) src(%dma_wait3A_310 : memref<80x128xf32, #tpu.memory_space<hbm>>) dst(%arg11 : memref<80x128xf32, #tpu.memory_space<vmem>>)
      %dma_start3A_311 = arith.constant 0 : i32
      %dma_start3A_312 = arith.constant 0 : i32
      %dma_start3A_313 = tpu.memref_slice %arg14[%dma_start3A_311, %dma_start3A_312] : memref<10000x128xf32, #tpu.memory_space<vmem_shared>> -> memref<10000x128xf32, #tpu.memory_space<vmem_shared>>
      tpu.enqueue_indirect_dma source(%arg11 : memref<80x128xf32, #tpu.memory_space<vmem>>) target(%dma_start3A_313 : memref<10000x128xf32, #tpu.memory_space<vmem_shared>>) offsets(%arg8 : memref<80xi32, #tpu.memory_space<vmem>>) semaphore(%arg18 : memref<!tpu.dma_semaphore, #tpu.memory_space<semaphore_mem>>) {add = true}
      %dma_wait3A_314 = arith.constant 0 : i32
      %dma_wait3A_315 = arith.constant 0 : i32
      %dma_wait3A_316 = tpu.memref_slice %arg14[%dma_wait3A_314, %dma_wait3A_315] : memref<10000x128xf32, #tpu.memory_space<vmem_shared>> -> memref<10000x128xf32, #tpu.memory_space<vmem_shared>>
      tpu.wait_indirect_dma semaphore(%arg20 : memref<!tpu.dma_semaphore, #tpu.memory_space<semaphore_mem>>) src(%arg13 : memref<80x128xf32, #tpu.memory_space<vmem>>) dst(%dma_wait3A_316 : memref<10000x128xf32, #tpu.memory_space<vmem_shared>>)
      %add3A_317 = arith.constant 1 : i32
      %add3A_318 = arith.addi %add3A_268, %add3A_317 : i32
      %add3A_319 = arith.constant 2 : i32
      %add3A_320 = arith.addi %add3A_318, %add3A_319 : i32
      %mul3A_321 = arith.constant 80 : i32
      %mul3A_322 = arith.muli %add3A_320, %mul3A_321 : i32
      %add3A_323 = arith.addi %mul3A_2, %mul3A_322 : i32
      %dma_start3A_324 = tpu.memref_slice %arg6[%add3A_323] : memref<320000xi32, #tpu.memory_space<hbm>> -> memref<80xi32, #tpu.memory_space<hbm>>
      %dma_start3A_325 = tpu.memref_slice %arg6[%add3A_323] : memref<320000xi32, #tpu.memory_space<hbm>> -> memref<80xi32, #tpu.memory_space<hbm>>
      tpu.enqueue_dma source(%dma_start3A_325 : memref<80xi32, #tpu.memory_space<hbm>>) target(%arg10 : memref<80xi32, #tpu.memory_space<vmem>>) target_semaphore(%arg17 : memref<!tpu.dma_semaphore, #tpu.memory_space<semaphore_mem>>)
      %mul3A_326 = arith.constant 80 : i32
      %mul3A_327 = arith.muli %add3A_320, %mul3A_326 : i32
      %add3A_328 = arith.addi %mul3A_2, %mul3A_327 : i32
      %dma_start3A_329 = arith.constant 0 : i32
      %dma_start3A_330 = tpu.memref_slice %arg3[%add3A_328, %dma_start3A_329] : memref<320000x128xf32, #tpu.memory_space<hbm>> -> memref<80x128xf32, #tpu.memory_space<hbm>>
      %dma_start3A_331 = arith.constant 0 : i32
      %dma_start3A_332 = tpu.memref_slice %arg3[%add3A_328, %dma_start3A_331] : memref<320000x128xf32, #tpu.memory_space<hbm>> -> memref<80x128xf32, #tpu.memory_space<hbm>>
      tpu.enqueue_dma source(%dma_start3A_332 : memref<80x128xf32, #tpu.memory_space<hbm>>) target(%arg13 : memref<80x128xf32, #tpu.memory_space<vmem>>) target_semaphore(%arg17 : memref<!tpu.dma_semaphore, #tpu.memory_space<semaphore_mem>>)
      %dma_wait3A_333 = arith.constant 0 : i32
      %dma_wait3A_334 = tpu.memref_slice %arg6[%dma_wait3A_333] : memref<320000xi32, #tpu.memory_space<hbm>> -> memref<80xi32, #tpu.memory_space<hbm>>
      %dma_wait3A_335 = arith.constant 0 : i32
      %dma_wait3A_336 = tpu.memref_slice %arg6[%dma_wait3A_335] : memref<320000xi32, #tpu.memory_space<hbm>> -> memref<80xi32, #tpu.memory_space<hbm>>
      tpu.wait_dma2 semaphore(%arg16 : memref<!tpu.dma_semaphore, #tpu.memory_space<semaphore_mem>>) src(%dma_wait3A_336 : memref<80xi32, #tpu.memory_space<hbm>>) dst(%arg9 : memref<80xi32, #tpu.memory_space<vmem>>)
      %dma_wait3A_337 = arith.constant 0 : i32
      %dma_wait3A_338 = arith.constant 0 : i32
      %dma_wait3A_339 = tpu.memref_slice %arg3[%dma_wait3A_337, %dma_wait3A_338] : memref<320000x128xf32, #tpu.memory_space<hbm>> -> memref<80x128xf32, #tpu.memory_space<hbm>>
      %dma_wait3A_340 = arith.constant 0 : i32
      %dma_wait3A_341 = arith.constant 0 : i32
      %dma_wait3A_342 = tpu.memref_slice %arg3[%dma_wait3A_340, %dma_wait3A_341] : memref<320000x128xf32, #tpu.memory_space<hbm>> -> memref<80x128xf32, #tpu.memory_space<hbm>>
      tpu.wait_dma2 semaphore(%arg16 : memref<!tpu.dma_semaphore, #tpu.memory_space<semaphore_mem>>) src(%dma_wait3A_342 : memref<80x128xf32, #tpu.memory_space<hbm>>) dst(%arg12 : memref<80x128xf32, #tpu.memory_space<vmem>>)
      %dma_start3A_343 = arith.constant 0 : i32
      %dma_start3A_344 = arith.constant 0 : i32
      %dma_start3A_345 = tpu.memref_slice %arg14[%dma_start3A_343, %dma_start3A_344] : memref<10000x128xf32, #tpu.memory_space<vmem_shared>> -> memref<10000x128xf32, #tpu.memory_space<vmem_shared>>
      tpu.enqueue_indirect_dma source(%arg12 : memref<80x128xf32, #tpu.memory_space<vmem>>) target(%dma_start3A_345 : memref<10000x128xf32, #tpu.memory_space<vmem_shared>>) offsets(%arg9 : memref<80xi32, #tpu.memory_space<vmem>>) semaphore(%arg19 : memref<!tpu.dma_semaphore, #tpu.memory_space<semaphore_mem>>) {add = true}
      %dma_wait3A_346 = arith.constant 0 : i32
      %dma_wait3A_347 = arith.constant 0 : i32
      %dma_wait3A_348 = tpu.memref_slice %arg14[%dma_wait3A_346, %dma_wait3A_347] : memref<10000x128xf32, #tpu.memory_space<vmem_shared>> -> memref<10000x128xf32, #tpu.memory_space<vmem_shared>>
      tpu.wait_indirect_dma semaphore(%arg18 : memref<!tpu.dma_semaphore, #tpu.memory_space<semaphore_mem>>) src(%arg11 : memref<80x128xf32, #tpu.memory_space<vmem>>) dst(%dma_wait3A_348 : memref<10000x128xf32, #tpu.memory_space<vmem_shared>>)
      %add3A_349 = arith.constant 2 : i32
      %add3A_350 = arith.addi %add3A_268, %add3A_349 : i32
      %add3A_351 = arith.constant 2 : i32
      %add3A_352 = arith.addi %add3A_350, %add3A_351 : i32
      %mul3A_353 = arith.constant 80 : i32
      %mul3A_354 = arith.muli %add3A_352, %mul3A_353 : i32
      %add3A_355 = arith.addi %mul3A_2, %mul3A_354 : i32
      %dma_start3A_356 = tpu.memref_slice %arg6[%add3A_355] : memref<320000xi32, #tpu.memory_space<hbm>> -> memref<80xi32, #tpu.memory_space<hbm>>
      %dma_start3A_357 = tpu.memref_slice %arg6[%add3A_355] : memref<320000xi32, #tpu.memory_space<hbm>> -> memref<80xi32, #tpu.memory_space<hbm>>
      tpu.enqueue_dma source(%dma_start3A_357 : memref<80xi32, #tpu.memory_space<hbm>>) target(%arg8 : memref<80xi32, #tpu.memory_space<vmem>>) target_semaphore(%arg15 : memref<!tpu.dma_semaphore, #tpu.memory_space<semaphore_mem>>)
      %mul3A_358 = arith.constant 80 : i32
      %mul3A_359 = arith.muli %add3A_352, %mul3A_358 : i32
      %add3A_360 = arith.addi %mul3A_2, %mul3A_359 : i32
      %dma_start3A_361 = arith.constant 0 : i32
      %dma_start3A_362 = tpu.memref_slice %arg3[%add3A_360, %dma_start3A_361] : memref<320000x128xf32, #tpu.memory_space<hbm>> -> memref<80x128xf32, #tpu.memory_space<hbm>>
      %dma_start3A_363 = arith.constant 0 : i32
      %dma_start3A_364 = tpu.memref_slice %arg3[%add3A_360, %dma_start3A_363] : memref<320000x128xf32, #tpu.memory_space<hbm>> -> memref<80x128xf32, #tpu.memory_space<hbm>>
      tpu.enqueue_dma source(%dma_start3A_364 : memref<80x128xf32, #tpu.memory_space<hbm>>) target(%arg11 : memref<80x128xf32, #tpu.memory_space<vmem>>) target_semaphore(%arg15 : memref<!tpu.dma_semaphore, #tpu.memory_space<semaphore_mem>>)
    }
    %scan3A_191 = arith.constant 40 : i32
    %dma_wait3A_192 = arith.constant 0 : i32
    %dma_wait3A_193 = tpu.memref_slice %arg6[%dma_wait3A_192] : memref<320000xi32, #tpu.memory_space<hbm>> -> memref<80xi32, #tpu.memory_space<hbm>>
    %dma_wait3A_194 = arith.constant 0 : i32
    %dma_wait3A_195 = tpu.memref_slice %arg6[%dma_wait3A_194] : memref<320000xi32, #tpu.memory_space<hbm>> -> memref<80xi32, #tpu.memory_space<hbm>>
    tpu.wait_dma2 semaphore(%arg17 : memref<!tpu.dma_semaphore, #tpu.memory_space<semaphore_mem>>) src(%dma_wait3A_195 : memref<80xi32, #tpu.memory_space<hbm>>) dst(%arg10 : memref<80xi32, #tpu.memory_space<vmem>>)
    %dma_wait3A_196 = arith.constant 0 : i32
    %dma_wait3A_197 = arith.constant 0 : i32
    %dma_wait3A_198 = tpu.memref_slice %arg3[%dma_wait3A_196, %dma_wait3A_197] : memref<320000x128xf32, #tpu.memory_space<hbm>> -> memref<80x128xf32, #tpu.memory_space<hbm>>
    %dma_wait3A_199 = arith.constant 0 : i32
    %dma_wait3A_200 = arith.constant 0 : i32
    %dma_wait3A_201 = tpu.memref_slice %arg3[%dma_wait3A_199, %dma_wait3A_200] : memref<320000x128xf32, #tpu.memory_space<hbm>> -> memref<80x128xf32, #tpu.memory_space<hbm>>
    tpu.wait_dma2 semaphore(%arg17 : memref<!tpu.dma_semaphore, #tpu.memory_space<semaphore_mem>>) src(%dma_wait3A_201 : memref<80x128xf32, #tpu.memory_space<hbm>>) dst(%arg13 : memref<80x128xf32, #tpu.memory_space<vmem>>)
    %dma_start3A_202 = arith.constant 0 : i32
    %dma_start3A_203 = arith.constant 0 : i32
    %dma_start3A_204 = tpu.memref_slice %arg14[%dma_start3A_202, %dma_start3A_203] : memref<10000x128xf32, #tpu.memory_space<vmem_shared>> -> memref<10000x128xf32, #tpu.memory_space<vmem_shared>>
    tpu.enqueue_indirect_dma source(%arg13 : memref<80x128xf32, #tpu.memory_space<vmem>>) target(%dma_start3A_204 : memref<10000x128xf32, #tpu.memory_space<vmem_shared>>) offsets(%arg10 : memref<80xi32, #tpu.memory_space<vmem>>) semaphore(%arg20 : memref<!tpu.dma_semaphore, #tpu.memory_space<semaphore_mem>>) {add = true}
    %dma_wait3A_205 = arith.constant 0 : i32
    %dma_wait3A_206 = arith.constant 0 : i32
    %dma_wait3A_207 = tpu.memref_slice %arg14[%dma_wait3A_205, %dma_wait3A_206] : memref<10000x128xf32, #tpu.memory_space<vmem_shared>> -> memref<10000x128xf32, #tpu.memory_space<vmem_shared>>
    tpu.wait_indirect_dma semaphore(%arg19 : memref<!tpu.dma_semaphore, #tpu.memory_space<semaphore_mem>>) src(%arg12 : memref<80x128xf32, #tpu.memory_space<vmem>>) dst(%dma_wait3A_207 : memref<10000x128xf32, #tpu.memory_space<vmem_shared>>)
    %add3A_208 = arith.constant 9920 : i32
    %add3A_209 = arith.addi %mul3A_2, %add3A_208 : i32
    %dma_start3A_210 = tpu.memref_slice %arg6[%add3A_209] : memref<320000xi32, #tpu.memory_space<hbm>> -> memref<80xi32, #tpu.memory_space<hbm>>
    %dma_start3A_211 = tpu.memref_slice %arg6[%add3A_209] : memref<320000xi32, #tpu.memory_space<hbm>> -> memref<80xi32, #tpu.memory_space<hbm>>
    tpu.enqueue_dma source(%dma_start3A_211 : memref<80xi32, #tpu.memory_space<hbm>>) target(%arg9 : memref<80xi32, #tpu.memory_space<vmem>>) target_semaphore(%arg16 : memref<!tpu.dma_semaphore, #tpu.memory_space<semaphore_mem>>)
    %add3A_212 = arith.constant 9920 : i32
    %add3A_213 = arith.addi %mul3A_2, %add3A_212 : i32
    %dma_start3A_214 = arith.constant 0 : i32
    %dma_start3A_215 = tpu.memref_slice %arg3[%add3A_213, %dma_start3A_214] : memref<320000x128xf32, #tpu.memory_space<hbm>> -> memref<80x128xf32, #tpu.memory_space<hbm>>
    %dma_start3A_216 = arith.constant 0 : i32
    %dma_start3A_217 = tpu.memref_slice %arg3[%add3A_213, %dma_start3A_216] : memref<320000x128xf32, #tpu.memory_space<hbm>> -> memref<80x128xf32, #tpu.memory_space<hbm>>
    tpu.enqueue_dma source(%dma_start3A_217 : memref<80x128xf32, #tpu.memory_space<hbm>>) target(%arg12 : memref<80x128xf32, #tpu.memory_space<vmem>>) target_semaphore(%arg16 : memref<!tpu.dma_semaphore, #tpu.memory_space<semaphore_mem>>)
    %dma_wait3A_218 = arith.constant 0 : i32
    %dma_wait3A_219 = tpu.memref_slice %arg6[%dma_wait3A_218] : memref<320000xi32, #tpu.memory_space<hbm>> -> memref<80xi32, #tpu.memory_space<hbm>>
    %dma_wait3A_220 = arith.constant 0 : i32
    %dma_wait3A_221 = tpu.memref_slice %arg6[%dma_wait3A_220] : memref<320000xi32, #tpu.memory_space<hbm>> -> memref<80xi32, #tpu.memory_space<hbm>>
    tpu.wait_dma2 semaphore(%arg15 : memref<!tpu.dma_semaphore, #tpu.memory_space<semaphore_mem>>) src(%dma_wait3A_221 : memref<80xi32, #tpu.memory_space<hbm>>) dst(%arg8 : memref<80xi32, #tpu.memory_space<vmem>>)
    %dma_wait3A_222 = arith.constant 0 : i32
    %dma_wait3A_223 = arith.constant 0 : i32
    %dma_wait3A_224 = tpu.memref_slice %arg3[%dma_wait3A_222, %dma_wait3A_223] : memref<320000x128xf32, #tpu.memory_space<hbm>> -> memref<80x128xf32, #tpu.memory_space<hbm>>
    %dma_wait3A_225 = arith.constant 0 : i32
    %dma_wait3A_226 = arith.constant 0 : i32
    %dma_wait3A_227 = tpu.memref_slice %arg3[%dma_wait3A_225, %dma_wait3A_226] : memref<320000x128xf32, #tpu.memory_space<hbm>> -> memref<80x128xf32, #tpu.memory_space<hbm>>
    tpu.wait_dma2 semaphore(%arg15 : memref<!tpu.dma_semaphore, #tpu.memory_space<semaphore_mem>>) src(%dma_wait3A_227 : memref<80x128xf32, #tpu.memory_space<hbm>>) dst(%arg11 : memref<80x128xf32, #tpu.memory_space<vmem>>)
    %dma_start3A_228 = arith.constant 0 : i32
    %dma_start3A_229 = arith.constant 0 : i32
    %dma_start3A_230 = tpu.memref_slice %arg14[%dma_start3A_228, %dma_start3A_229] : memref<10000x128xf32, #tpu.memory_space<vmem_shared>> -> memref<10000x128xf32, #tpu.memory_space<vmem_shared>>
    tpu.enqueue_indirect_dma source(%arg11 : memref<80x128xf32, #tpu.memory_space<vmem>>) target(%dma_start3A_230 : memref<10000x128xf32, #tpu.memory_space<vmem_shared>>) offsets(%arg8 : memref<80xi32, #tpu.memory_space<vmem>>) semaphore(%arg18 : memref<!tpu.dma_semaphore, #tpu.memory_space<semaphore_mem>>) {add = true}
    %dma_wait3A_231 = arith.constant 0 : i32
    %dma_wait3A_232 = arith.constant 0 : i32
    %dma_wait3A_233 = tpu.memref_slice %arg14[%dma_wait3A_231, %dma_wait3A_232] : memref<10000x128xf32, #tpu.memory_space<vmem_shared>> -> memref<10000x128xf32, #tpu.memory_space<vmem_shared>>
    tpu.wait_indirect_dma semaphore(%arg20 : memref<!tpu.dma_semaphore, #tpu.memory_space<semaphore_mem>>) src(%arg13 : memref<80x128xf32, #tpu.memory_space<vmem>>) dst(%dma_wait3A_233 : memref<10000x128xf32, #tpu.memory_space<vmem_shared>>)
    %dma_wait3A_234 = arith.constant 0 : i32
    %dma_wait3A_235 = tpu.memref_slice %arg6[%dma_wait3A_234] : memref<320000xi32, #tpu.memory_space<hbm>> -> memref<80xi32, #tpu.memory_space<hbm>>
    %dma_wait3A_236 = arith.constant 0 : i32
    %dma_wait3A_237 = tpu.memref_slice %arg6[%dma_wait3A_236] : memref<320000xi32, #tpu.memory_space<hbm>> -> memref<80xi32, #tpu.memory_space<hbm>>
    tpu.wait_dma2 semaphore(%arg16 : memref<!tpu.dma_semaphore, #tpu.memory_space<semaphore_mem>>) src(%dma_wait3A_237 : memref<80xi32, #tpu.memory_space<hbm>>) dst(%arg9 : memref<80xi32, #tpu.memory_space<vmem>>)
    %dma_wait3A_238 = arith.constant 0 : i32
    %dma_wait3A_239 = arith.constant 0 : i32
    %dma_wait3A_240 = tpu.memref_slice %arg3[%dma_wait3A_238, %dma_wait3A_239] : memref<320000x128xf32, #tpu.memory_space<hbm>> -> memref<80x128xf32, #tpu.memory_space<hbm>>
    %dma_wait3A_241 = arith.constant 0 : i32
    %dma_wait3A_242 = arith.constant 0 : i32
    %dma_wait3A_243 = tpu.memref_slice %arg3[%dma_wait3A_241, %dma_wait3A_242] : memref<320000x128xf32, #tpu.memory_space<hbm>> -> memref<80x128xf32, #tpu.memory_space<hbm>>
    tpu.wait_dma2 semaphore(%arg16 : memref<!tpu.dma_semaphore, #tpu.memory_space<semaphore_mem>>) src(%dma_wait3A_243 : memref<80x128xf32, #tpu.memory_space<hbm>>) dst(%arg12 : memref<80x128xf32, #tpu.memory_space<vmem>>)
    %dma_start3A_244 = arith.constant 0 : i32
    %dma_start3A_245 = arith.constant 0 : i32
    %dma_start3A_246 = tpu.memref_slice %arg14[%dma_start3A_244, %dma_start3A_245] : memref<10000x128xf32, #tpu.memory_space<vmem_shared>> -> memref<10000x128xf32, #tpu.memory_space<vmem_shared>>
    tpu.enqueue_indirect_dma source(%arg12 : memref<80x128xf32, #tpu.memory_space<vmem>>) target(%dma_start3A_246 : memref<10000x128xf32, #tpu.memory_space<vmem_shared>>) offsets(%arg9 : memref<80xi32, #tpu.memory_space<vmem>>) semaphore(%arg19 : memref<!tpu.dma_semaphore, #tpu.memory_space<semaphore_mem>>) {add = true}
    %dma_wait3A_247 = arith.constant 0 : i32
    %dma_wait3A_248 = arith.constant 0 : i32
    %dma_wait3A_249 = tpu.memref_slice %arg14[%dma_wait3A_247, %dma_wait3A_248] : memref<10000x128xf32, #tpu.memory_space<vmem_shared>> -> memref<10000x128xf32, #tpu.memory_space<vmem_shared>>
    tpu.wait_indirect_dma semaphore(%arg18 : memref<!tpu.dma_semaphore, #tpu.memory_space<semaphore_mem>>) src(%arg11 : memref<80x128xf32, #tpu.memory_space<vmem>>) dst(%dma_wait3A_249 : memref<10000x128xf32, #tpu.memory_space<vmem_shared>>)
    %dma_wait3A_250 = arith.constant 0 : i32
    %dma_wait3A_251 = arith.constant 0 : i32
    %dma_wait3A_252 = tpu.memref_slice %arg14[%dma_wait3A_250, %dma_wait3A_251] : memref<10000x128xf32, #tpu.memory_space<vmem_shared>> -> memref<10000x128xf32, #tpu.memory_space<vmem_shared>>
    tpu.wait_indirect_dma semaphore(%arg19 : memref<!tpu.dma_semaphore, #tpu.memory_space<semaphore_mem>>) src(%arg12 : memref<80x128xf32, #tpu.memory_space<vmem>>) dst(%dma_wait3A_252 : memref<10000x128xf32, #tpu.memory_space<vmem_shared>>)
    %barrier3A_253 = arith.constant 0 : index
    tpu.barrier barrier_id(%barrier3A_253)
    %eq3A_254 = arith.constant 0 : i32
    %eq3A_255 = arith.cmpi eq, %arg0, %eq3A_254 : i32
    %convert_element_type3A_256 = arith.extui %eq3A_255 : i1 to i32
    %cond3A_257 = arith.constant 0 : i32
    %cond3A_258 = arith.cmpi ne, %convert_element_type3A_256, %cond3A_257 : i32
    scf.if %cond3A_258 {
      %mul3A_264 = arith.constant 624 : i32
      %mul3A_265 = arith.muli %arg1, %mul3A_264 : i32
      %mul3A_266 = arith.constant 624 : i32
      %mul3A_267 = arith.muli %arg1, %mul3A_266 : i32
      "tpu.region"() ({
        %run_scoped3A_273 = tpu.sem_alloc : memref<!tpu.dma_semaphore, #tpu.memory_space<semaphore_mem>>
        %dma_start3A_274 = arith.constant 0 : i32
        %dma_start3A_275 = tpu.memref_slice %arg4[%mul3A_267, %dma_start3A_274] : memref<10000x128xf32, #tpu.memory_space<hbm>> -> memref<624x128xf32, #tpu.memory_space<hbm>>
        %dma_start3A_276 = arith.constant 0 : i32
        %dma_start3A_277 = tpu.memref_slice %arg14[%mul3A_265, %dma_start3A_276] : memref<10000x128xf32, #tpu.memory_space<vmem_shared>> -> memref<624x128xf32, #tpu.memory_space<vmem_shared>>
        tpu.enqueue_dma source(%dma_start3A_277 : memref<624x128xf32, #tpu.memory_space<vmem_shared>>) target(%dma_start3A_275 : memref<624x128xf32, #tpu.memory_space<hbm>>) target_semaphore(%run_scoped3A_273 : memref<!tpu.dma_semaphore, #tpu.memory_space<semaphore_mem>>)
        %dma_wait3A_278 = arith.constant 0 : i32
        %dma_wait3A_279 = tpu.memref_slice %arg4[%mul3A_267, %dma_wait3A_278] : memref<10000x128xf32, #tpu.memory_space<hbm>> -> memref<624x128xf32, #tpu.memory_space<hbm>>
        %dma_wait3A_280 = arith.constant 0 : i32
        %dma_wait3A_281 = tpu.memref_slice %arg14[%mul3A_265, %dma_wait3A_280] : memref<10000x128xf32, #tpu.memory_space<vmem_shared>> -> memref<624x128xf32, #tpu.memory_space<vmem_shared>>
        tpu.wait_dma2 semaphore(%run_scoped3A_273 : memref<!tpu.dma_semaphore, #tpu.memory_space<semaphore_mem>>) src(%dma_wait3A_281 : memref<624x128xf32, #tpu.memory_space<vmem_shared>>) dst(%dma_wait3A_279 : memref<624x128xf32, #tpu.memory_space<hbm>>)
        tpu.yield
      }) : () -> ()
      %eq3A_268 = arith.constant 0 : i32
      %eq3A_269 = arith.cmpi eq, %arg1, %eq3A_268 : i32
      %convert_element_type3A_270 = arith.extui %eq3A_269 : i1 to i32
      %cond3A_271 = arith.constant 0 : i32
      %cond3A_272 = arith.cmpi ne, %convert_element_type3A_270, %cond3A_271 : i32
      scf.if %cond3A_272 {
        "tpu.region"() ({
          %run_scoped3A_273 = tpu.sem_alloc : memref<!tpu.dma_semaphore, #tpu.memory_space<semaphore_mem>>
          %dma_start3A_274 = arith.constant 9984 : i32
          %dma_start3A_275 = arith.constant 0 : i32
          %dma_start3A_276 = tpu.memref_slice %arg4[%dma_start3A_274, %dma_start3A_275] : memref<10000x128xf32, #tpu.memory_space<hbm>> -> memref<16x128xf32, #tpu.memory_space<hbm>>
          %dma_start3A_277 = arith.constant 9984 : i32
          %dma_start3A_278 = arith.constant 0 : i32
          %dma_start3A_279 = tpu.memref_slice %arg14[%dma_start3A_277, %dma_start3A_278] : memref<10000x128xf32, #tpu.memory_space<vmem_shared>> -> memref<16x128xf32, #tpu.memory_space<vmem_shared>>
          tpu.enqueue_dma source(%dma_start3A_279 : memref<16x128xf32, #tpu.memory_space<vmem_shared>>) target(%dma_start3A_276 : memref<16x128xf32, #tpu.memory_space<hbm>>) target_semaphore(%run_scoped3A_273 : memref<!tpu.dma_semaphore, #tpu.memory_space<semaphore_mem>>)
          %dma_wait3A_280 = arith.constant 9984 : i32
          %dma_wait3A_281 = arith.constant 0 : i32
          %dma_wait3A_282 = tpu.memref_slice %arg4[%dma_wait3A_280, %dma_wait3A_281] : memref<10000x128xf32, #tpu.memory_space<hbm>> -> memref<16x128xf32, #tpu.memory_space<hbm>>
          %dma_wait3A_283 = arith.constant 9984 : i32
          %dma_wait3A_284 = arith.constant 0 : i32
          %dma_wait3A_285 = tpu.memref_slice %arg14[%dma_wait3A_283, %dma_wait3A_284] : memref<10000x128xf32, #tpu.memory_space<vmem_shared>> -> memref<16x128xf32, #tpu.memory_space<vmem_shared>>
          tpu.wait_dma2 semaphore(%run_scoped3A_273 : memref<!tpu.dma_semaphore, #tpu.memory_space<semaphore_mem>>) src(%dma_wait3A_285 : memref<16x128xf32, #tpu.memory_space<vmem_shared>>) dst(%dma_wait3A_282 : memref<16x128xf32, #tpu.memory_space<hbm>>)
          tpu.yield
        }) : () -> ()
      } else {
      }
    } else {
    }
    %eq3A_259 = arith.constant 1 : i32
    %eq3A_260 = arith.cmpi eq, %arg0, %eq3A_259 : i32
    %convert_element_type3A_261 = arith.extui %eq3A_260 : i1 to i32
    %cond3A_262 = arith.constant 0 : i32
    %cond3A_263 = arith.cmpi ne, %convert_element_type3A_261, %cond3A_262 : i32
    scf.if %cond3A_263 {
      %mul3A_264 = arith.constant 624 : i32
      %mul3A_265 = arith.muli %arg1, %mul3A_264 : i32
      %mul3A_266 = arith.constant 624 : i32
      %mul3A_267 = arith.muli %arg1, %mul3A_266 : i32
      "tpu.region"() ({
        %run_scoped3A_273 = tpu.sem_alloc : memref<!tpu.dma_semaphore, #tpu.memory_space<semaphore_mem>>
        %dma_start3A_274 = arith.constant 0 : i32
        %dma_start3A_275 = tpu.memref_slice %arg5[%mul3A_267, %dma_start3A_274] : memref<10000x128xf32, #tpu.memory_space<hbm>> -> memref<624x128xf32, #tpu.memory_space<hbm>>
        %dma_start3A_276 = arith.constant 0 : i32
        %dma_start3A_277 = tpu.memref_slice %arg14[%mul3A_265, %dma_start3A_276] : memref<10000x128xf32, #tpu.memory_space<vmem_shared>> -> memref<624x128xf32, #tpu.memory_space<vmem_shared>>
        tpu.enqueue_dma source(%dma_start3A_277 : memref<624x128xf32, #tpu.memory_space<vmem_shared>>) target(%dma_start3A_275 : memref<624x128xf32, #tpu.memory_space<hbm>>) target_semaphore(%run_scoped3A_273 : memref<!tpu.dma_semaphore, #tpu.memory_space<semaphore_mem>>)
        %dma_wait3A_278 = arith.constant 0 : i32
        %dma_wait3A_279 = tpu.memref_slice %arg5[%mul3A_267, %dma_wait3A_278] : memref<10000x128xf32, #tpu.memory_space<hbm>> -> memref<624x128xf32, #tpu.memory_space<hbm>>
        %dma_wait3A_280 = arith.constant 0 : i32
        %dma_wait3A_281 = tpu.memref_slice %arg14[%mul3A_265, %dma_wait3A_280] : memref<10000x128xf32, #tpu.memory_space<vmem_shared>> -> memref<624x128xf32, #tpu.memory_space<vmem_shared>>
        tpu.wait_dma2 semaphore(%run_scoped3A_273 : memref<!tpu.dma_semaphore, #tpu.memory_space<semaphore_mem>>) src(%dma_wait3A_281 : memref<624x128xf32, #tpu.memory_space<vmem_shared>>) dst(%dma_wait3A_279 : memref<624x128xf32, #tpu.memory_space<hbm>>)
        tpu.yield
      }) : () -> ()
      %eq3A_268 = arith.constant 0 : i32
      %eq3A_269 = arith.cmpi eq, %arg1, %eq3A_268 : i32
      %convert_element_type3A_270 = arith.extui %eq3A_269 : i1 to i32
      %cond3A_271 = arith.constant 0 : i32
      %cond3A_272 = arith.cmpi ne, %convert_element_type3A_270, %cond3A_271 : i32
      scf.if %cond3A_272 {
        "tpu.region"() ({
          %run_scoped3A_273 = tpu.sem_alloc : memref<!tpu.dma_semaphore, #tpu.memory_space<semaphore_mem>>
          %dma_start3A_274 = arith.constant 9984 : i32
          %dma_start3A_275 = arith.constant 0 : i32
          %dma_start3A_276 = tpu.memref_slice %arg5[%dma_start3A_274, %dma_start3A_275] : memref<10000x128xf32, #tpu.memory_space<hbm>> -> memref<16x128xf32, #tpu.memory_space<hbm>>
          %dma_start3A_277 = arith.constant 9984 : i32
          %dma_start3A_278 = arith.constant 0 : i32
          %dma_start3A_279 = tpu.memref_slice %arg14[%dma_start3A_277, %dma_start3A_278] : memref<10000x128xf32, #tpu.memory_space<vmem_shared>> -> memref<16x128xf32, #tpu.memory_space<vmem_shared>>
          tpu.enqueue_dma source(%dma_start3A_279 : memref<16x128xf32, #tpu.memory_space<vmem_shared>>) target(%dma_start3A_276 : memref<16x128xf32, #tpu.memory_space<hbm>>) target_semaphore(%run_scoped3A_273 : memref<!tpu.dma_semaphore, #tpu.memory_space<semaphore_mem>>)
          %dma_wait3A_280 = arith.constant 9984 : i32
          %dma_wait3A_281 = arith.constant 0 : i32
          %dma_wait3A_282 = tpu.memref_slice %arg5[%dma_wait3A_280, %dma_wait3A_281] : memref<10000x128xf32, #tpu.memory_space<hbm>> -> memref<16x128xf32, #tpu.memory_space<hbm>>
          %dma_wait3A_283 = arith.constant 9984 : i32
          %dma_wait3A_284 = arith.constant 0 : i32
          %dma_wait3A_285 = tpu.memref_slice %arg14[%dma_wait3A_283, %dma_wait3A_284] : memref<10000x128xf32, #tpu.memory_space<vmem_shared>> -> memref<16x128xf32, #tpu.memory_space<vmem_shared>>
          tpu.wait_dma2 semaphore(%run_scoped3A_273 : memref<!tpu.dma_semaphore, #tpu.memory_space<semaphore_mem>>) src(%dma_wait3A_285 : memref<16x128xf32, #tpu.memory_space<vmem_shared>>) dst(%dma_wait3A_282 : memref<16x128xf32, #tpu.memory_space<hbm>>)
          tpu.yield
        }) : () -> ()
      } else {
      }
    } else {
    }
    return
  }
}

module attributes {stable_mosaic.version = 14 : i64} {
  func.func @_pre_body(%arg0: i32, %arg1: memref<5000x128xf32, #tpu.memory_space<vmem>>, %arg2: memref<128x128xf32, #tpu.memory_space<vmem>>, %arg3: memref<1x128xf32, #tpu.memory_space<vmem>>, %arg4: memref<1x128xf32, #tpu.memory_space<vmem>>, %arg5: memref<5000x128xf32, #tpu.memory_space<vmem>>, %arg6: memref<5000x128xf32, #tpu.memory_space<vmem>>) attributes {dimension_semantics = [#tpu.dimension_semantics<arbitrary>], iteration_bounds = array<i64: 2>, scalar_prefetch = 0 : i64, scratch_operands = 0 : i64, tpu.core_type = #tpu.core_type<tc>, window_params = [{transform_indices = @transform_0, window_bounds = array<i64: 5000, 128>}, {pipeline_mode = #tpu.pipeline_mode<synchronous>, transform_indices = @transform_1, window_bounds = array<i64: 128, 128>}, {pipeline_mode = #tpu.pipeline_mode<synchronous>, transform_indices = @transform_2, window_bounds = array<i64: 1, 128>}, {pipeline_mode = #tpu.pipeline_mode<synchronous>, transform_indices = @transform_3, window_bounds = array<i64: 1, 128>}, {transform_indices = @transform_4, window_bounds = array<i64: 5000, 128>}, {transform_indices = @transform_5, window_bounds = array<i64: 5000, 128>}]} {
    %get3A = arith.constant 0 : index
    %get3A_0 = arith.constant 0 : index
    %get3A_1 = vector.load %arg1[%get3A, %get3A_0] : memref<5000x128xf32, #tpu.memory_space<vmem>>, vector<5000x128xf32>
    %get3A_2 = arith.constant 0 : index
    %get3A_3 = arith.constant 0 : index
    %get3A_4 = vector.load %arg2[%get3A_2, %get3A_3] : memref<128x128xf32, #tpu.memory_space<vmem>>, vector<128x128xf32>
    %dot_general3A = arith.constant dense<0.000000e+00> : vector<5000x128xf32>
    %dot_general3A_5 = tpu.matmul %get3A_1, %get3A_4, %dot_general3A {dimension_numbers = #tpu.dot_dimension_numbers<[1], [0], [0], [1], [0, 0, 1, 1], [], []>, transpose_lhs_hint = false} : vector<5000x128xf32>, vector<128x128xf32>, vector<5000x128xf32> -> vector<5000x128xf32>
    %get3A_6 = arith.constant 0 : index
    %get3A_7 = arith.constant 0 : index
    %get3A_8 = vector.load %arg3[%get3A_6, %get3A_7] : memref<1x128xf32, #tpu.memory_space<vmem>>, vector<1x128xf32>
    %add3A = vector.broadcast %get3A_8 : vector<1x128xf32> to vector<5000x128xf32>
    %add3A_9 = arith.addf %dot_general3A_5, %add3A : vector<5000x128xf32>
    %swap3A = arith.constant 0 : index
    %swap3A_10 = arith.constant 0 : index
    %swap3A_11 = vector.load %arg5[%swap3A, %swap3A_10] : memref<5000x128xf32, #tpu.memory_space<vmem>>, vector<5000x128xf32>
    tpu.vector_store %arg5[%swap3A, %swap3A_10], %add3A_9 {strides = array<i32>} : memref<5000x128xf32, #tpu.memory_space<vmem>>, vector<5000x128xf32>,
    %get3A_12 = arith.constant 0 : index
    %get3A_13 = arith.constant 0 : index
    %get3A_14 = vector.load %arg4[%get3A_12, %get3A_13] : memref<1x128xf32, #tpu.memory_space<vmem>>, vector<1x128xf32>
    %add3A_15 = vector.broadcast %get3A_14 : vector<1x128xf32> to vector<5000x128xf32>
    %add3A_16 = arith.addf %get3A_1, %add3A_15 : vector<5000x128xf32>
    %swap3A_17 = arith.constant 0 : index
    %swap3A_18 = arith.constant 0 : index
    %swap3A_19 = vector.load %arg6[%swap3A_17, %swap3A_18] : memref<5000x128xf32, #tpu.memory_space<vmem>>, vector<5000x128xf32>
    tpu.vector_store %arg6[%swap3A_17, %swap3A_18], %add3A_16 {strides = array<i32>} : memref<5000x128xf32, #tpu.memory_space<vmem>>, vector<5000x128xf32>,
    return
  }
  func.func @transform_0(%arg0: i32) -> (i32, i32) {
    %c0_i32 = arith.constant 0 : i32
    %c0_i32_0 = arith.constant 0 : i32
    return %arg0, %c0_i32 : i32, i32
  }
  func.func @transform_1(%arg0: i32) -> (i32, i32) {
    %c0_i32 = arith.constant 0 : i32
    %c0_i32_0 = arith.constant 0 : i32
    %c0_i32_1 = arith.constant 0 : i32
    return %c0_i32, %c0_i32_0 : i32, i32
  }
  func.func @transform_2(%arg0: i32) -> (i32, i32) {
    %c0_i32 = arith.constant 0 : i32
    %c0_i32_0 = arith.constant 0 : i32
    %c0_i32_1 = arith.constant 0 : i32
    return %c0_i32, %c0_i32_0 : i32, i32
  }
  func.func @transform_3(%arg0: i32) -> (i32, i32) {
    %c0_i32 = arith.constant 0 : i32
    %c0_i32_0 = arith.constant 0 : i32
    %c0_i32_1 = arith.constant 0 : i32
    return %c0_i32, %c0_i32_0 : i32, i32
  }
  func.func @transform_4(%arg0: i32) -> (i32, i32) {
    %c0_i32 = arith.constant 0 : i32
    %c0_i32_0 = arith.constant 0 : i32
    return %arg0, %c0_i32 : i32, i32
  }
  func.func @transform_5(%arg0: i32) -> (i32, i32) {
    %c0_i32 = arith.constant 0 : i32
    %c0_i32_0 = arith.constant 0 : i32
    return %arg0, %c0_i32 : i32, i32
  }
}

module attributes {stable_mosaic.version = 14 : i64} {
  func.func @_post_body(%arg0: i32, %arg1: memref<5000x128xf32, #tpu.memory_space<vmem>>, %arg2: memref<5000x128xf32, #tpu.memory_space<vmem>>, %arg3: memref<5000x128xf32, #tpu.memory_space<vmem>>, %arg4: memref<5000x128xf32, #tpu.memory_space<vmem>>, %arg5: memref<128x128xf32, #tpu.memory_space<vmem>>, %arg6: memref<128x128xf32, #tpu.memory_space<vmem>>, %arg7: memref<5000x128xf32, #tpu.memory_space<vmem>>) attributes {dimension_semantics = [#tpu.dimension_semantics<arbitrary>], iteration_bounds = array<i64: 2>, scalar_prefetch = 0 : i64, scratch_operands = 0 : i64, tpu.core_type = #tpu.core_type<tc>, window_params = [{transform_indices = @transform_0, window_bounds = array<i64: 5000, 128>}, {transform_indices = @transform_1, window_bounds = array<i64: 5000, 128>}, {transform_indices = @transform_2, window_bounds = array<i64: 5000, 128>}, {transform_indices = @transform_3, window_bounds = array<i64: 5000, 128>}, {pipeline_mode = #tpu.pipeline_mode<synchronous>, transform_indices = @transform_4, window_bounds = array<i64: 128, 128>}, {pipeline_mode = #tpu.pipeline_mode<synchronous>, transform_indices = @transform_5, window_bounds = array<i64: 128, 128>}, {transform_indices = @transform_6, window_bounds = array<i64: 5000, 128>}]} {
    %get3A = arith.constant 0 : index
    %get3A_0 = arith.constant 0 : index
    %get3A_1 = vector.load %arg3[%get3A, %get3A_0] : memref<5000x128xf32, #tpu.memory_space<vmem>>, vector<5000x128xf32>
    %get3A_2 = arith.constant 0 : index
    %get3A_3 = arith.constant 0 : index
    %get3A_4 = vector.load %arg4[%get3A_2, %get3A_3] : memref<5000x128xf32, #tpu.memory_space<vmem>>, vector<5000x128xf32>
    %add3A = arith.addf %get3A_1, %get3A_4 : vector<5000x128xf32>
    %get3A_5 = arith.constant 0 : index
    %get3A_6 = arith.constant 0 : index
    %get3A_7 = vector.load %arg1[%get3A_5, %get3A_6] : memref<5000x128xf32, #tpu.memory_space<vmem>>, vector<5000x128xf32>
    %get3A_8 = arith.constant 0 : index
    %get3A_9 = arith.constant 0 : index
    %get3A_10 = vector.load %arg5[%get3A_8, %get3A_9] : memref<128x128xf32, #tpu.memory_space<vmem>>, vector<128x128xf32>
    %dot_general3A = arith.constant dense<0.000000e+00> : vector<5000x128xf32>
    %dot_general3A_11 = tpu.matmul %add3A, %get3A_10, %dot_general3A {dimension_numbers = #tpu.dot_dimension_numbers<[1], [0], [0], [1], [0, 0, 1, 1], [], []>, transpose_lhs_hint = false} : vector<5000x128xf32>, vector<128x128xf32>, vector<5000x128xf32> -> vector<5000x128xf32>
    %add3A_12 = arith.addf %get3A_7, %dot_general3A_11 : vector<5000x128xf32>
    %max3A = arith.constant 0.000000e+00 : f32
    %max3A_13 = vector.broadcast %max3A : f32 to vector<5000x128xf32>
    %max3A_14 = arith.maximumf %add3A_12, %max3A_13 : vector<5000x128xf32>
    %get3A_15 = arith.constant 0 : index
    %get3A_16 = arith.constant 0 : index
    %get3A_17 = vector.load %arg6[%get3A_15, %get3A_16] : memref<128x128xf32, #tpu.memory_space<vmem>>, vector<128x128xf32>
    %dot_general3A_18 = arith.constant dense<0.000000e+00> : vector<5000x128xf32>
    %dot_general3A_19 = tpu.matmul %max3A_14, %get3A_17, %dot_general3A_18 {dimension_numbers = #tpu.dot_dimension_numbers<[1], [0], [0], [1], [0, 0, 1, 1], [], []>, transpose_lhs_hint = false} : vector<5000x128xf32>, vector<128x128xf32>, vector<5000x128xf32> -> vector<5000x128xf32>
    %get3A_20 = arith.constant 0 : index
    %get3A_21 = arith.constant 0 : index
    %get3A_22 = vector.load %arg2[%get3A_20, %get3A_21] : memref<5000x128xf32, #tpu.memory_space<vmem>>, vector<5000x128xf32>
    %add3A_23 = arith.addf %dot_general3A_19, %get3A_22 : vector<5000x128xf32>
    %swap3A = arith.constant 0 : index
    %swap3A_24 = arith.constant 0 : index
    %swap3A_25 = vector.load %arg7[%swap3A, %swap3A_24] : memref<5000x128xf32, #tpu.memory_space<vmem>>, vector<5000x128xf32>
    tpu.vector_store %arg7[%swap3A, %swap3A_24], %add3A_23 {strides = array<i32>} : memref<5000x128xf32, #tpu.memory_space<vmem>>, vector<5000x128xf32>,
    return
  }
  func.func @transform_0(%arg0: i32) -> (i32, i32) {
    %c0_i32 = arith.constant 0 : i32
    %c0_i32_0 = arith.constant 0 : i32
    return %arg0, %c0_i32 : i32, i32
  }
  func.func @transform_1(%arg0: i32) -> (i32, i32) {
    %c0_i32 = arith.constant 0 : i32
    %c0_i32_0 = arith.constant 0 : i32
    return %arg0, %c0_i32 : i32, i32
  }
  func.func @transform_2(%arg0: i32) -> (i32, i32) {
    %c0_i32 = arith.constant 0 : i32
    %c0_i32_0 = arith.constant 0 : i32
    return %arg0, %c0_i32 : i32, i32
  }
  func.func @transform_3(%arg0: i32) -> (i32, i32) {
    %c0_i32 = arith.constant 0 : i32
    %c0_i32_0 = arith.constant 0 : i32
    return %arg0, %c0_i32 : i32, i32
  }
  func.func @transform_4(%arg0: i32) -> (i32, i32) {
    %c0_i32 = arith.constant 0 : i32
    %c0_i32_0 = arith.constant 0 : i32
    %c0_i32_1 = arith.constant 0 : i32
    return %c0_i32, %c0_i32_0 : i32, i32
  }
  func.func @transform_5(%arg0: i32) -> (i32, i32) {
    %c0_i32 = arith.constant 0 : i32
    %c0_i32_0 = arith.constant 0 : i32
    %c0_i32_1 = arith.constant 0 : i32
    return %c0_i32, %c0_i32_0 : i32, i32
  }
  func.func @transform_6(%arg0: i32) -> (i32, i32) {
    %c0_i32 = arith.constant 0 : i32
    %c0_i32_0 = arith.constant 0 : i32
    return %arg0, %c0_i32 : i32, i32
  }
}

</mosaic_0001>

<sc_bundles>
// kernel: kernel.5.cloned.1.call-start
scs
__scs_entry_jumppad:
0x0: {  	(pc) =	sbr.rel $0x88, $3  }
0x1: {  	(tag) =	ssettag $0x0;
	lr =	simm.s32 $0x1  }
0x2: {  	[smem:$0x3F9A] =	sst lr;
	_ =	strace $0xD0000000  }
0x3: {  	_ = 	snop  }
0x4: {  	_ = 	snop  }
0x5: {  	_ = 	snop  }
0x6: {  	_ = 	snop  }
0x7: {  	_ = 	snop  }
__scs_overlays_trampoline_lowered:
0x8: {  	[smem:$0x3FA9] =	sst s0  }
0x9: {  	[smem:$0x3FAA] =	sst s1  }
0xa: {  	[smem:$0x3FAB] =	sst s2  }
0xb: {  	[smem:$0x3FAC] =	sst s3  }
0xc: {  	[smem:$0x3FAD] =	sst s4  }
0xd: {  	[smem:$0x3FAE] =	sst s5  }
0xe: {  	[smem:$0x3FAF] =	sst s6  }
0xf: {  	[smem:$0x3FB0] =	sst s7  }
0x10: {  	[smem:$0x3FB1] =	sst s8  }
0x11: {  	[smem:$0x3FB2] =	sst s9;
	s0 =	simm.s32 @!p0 $0x0  }
0x12: {  	s1 =	sld [smem:$0x3F98];
	s0 =	simm.s32 @p0 $0x1  }
0x13: {  	[smem:$0x3FB3] =	sst s0;
	s0 =	simm.s32 @!p1 $0x0  }
0x14: {  	s2 =	sld [smem:$0x3F97];
	s0 =	simm.s32 @p1 $0x1  }
0x15: {  	[smem:$0x3FB4] =	sst s0;
	s0 =	simm.s32 @!p2 $0x0  }
0x16: {  	s3 =	sld [smem:$0x3FDB];
	s0 =	simm.s32 @p2 $0x1  }
0x17: {  	s4 =	simm.s32 $0x1BF5;
	[smem:$0x3FB6] =	sst s0  }
0x18: {  	s0 =	sld [smem:$0x3F99];
	_ =	swait.ge [sflag:s4], $0x0  }
0x19: {  	s7 =	sld [smem:$0x3F9A]  }
0x1a: {  	s8 =	sadd.s32 $0xFFFFE003, lr  }
0x1b: {  	s9 =	sadd.s32 $0xFFFFFEF7, lr;
	s5 =	simm.s32 $0xFFFFFFFF;
	p2 =	slt.u32 s8, $0xFFFFF086  }
0x1c: {  	p1 =	slt.u32 s9, $0xF7A;
	s5 =	simm.s32 @!p2 $0x0  }
0x1d: {  	s5 =	simm.s32 @p1 $0x1;
	p0 =	seq.s32 s7, s2  }
0x1e: {  	s7 =	smul.u32 @!p0 $0xF7A, s2;
	p2 =	seq.s32 @!p0 s5, $0x0  }
0x1f: {  	s9 =	smul.u32 $0xF7A, s1;
	s8 =	simm.s32 @!p0 $0x1BF5;
	p2 =	por !p2, p0  }
0x20: {  	[sflag:s8] =	ssyncset.s32 @!p0 $0xFFFFF086;
	s6 =	sadd.s32 @!p0 s3, s7;
	s7 =	simm.s32 @!p0 $0x108  }
0x21: {  	s3 =	sadd.s32 s3, s9;
	s6 =	sadd.s32 @!p0 $0x88, s6;
	s7 =	simm.s32 @p2 $0x1082  }
0x22: {  	[simem:s7], [sflag:s8] =	dma.local @!p0 [hbm:s6], $0xF7A  }
0x23: {  	s9 =	sor.u32 $0xD0000000, s2;
	s6 =	simm.s32 $0x108;
	_ =	swait.ge @!p0 [sflag:s8], $0x0  }
0x24: {  	s3 =	sadd.s32 $0x88, s3;
	s6 =	simm.s32 @!p1 $0x1082;
	[sflag:s4] =	ssyncset.s32 $0xFFFFF086  }
0x25: {  	[simem:s6], [sflag:s4] =	dma.local [hbm:s3], $0xF7A  }
0x26: {  	[smem:$0x3F9A] =	sst s1;
	(tag) =	ssettag s2;
	_ =	strace s9  }
0x27: {  	s1 =	sld [smem:$0x3FAA]  }
0x28: {  	s2 =	sld [smem:$0x3FAB]  }
0x29: {  	s4 =	sld [smem:$0x3FAD]  }
0x2a: {  	p0 =	seq.s32 s5, $0x0;
	s5 =	sld [smem:$0x3FAE]  }
0x2b: {  	s6 =	sld [smem:$0x3FAF]  }
0x2c: {  	s7 =	sld [smem:$0x3FB0]  }
0x2d: {  	s3 =	simm.s32 $0x108;
	s8 =	sld [smem:$0x3FB1]  }
0x2e: {  	s3 =	simm.s32 @!p0 $0x1082;
	s9 =	sld [smem:$0x3FB2]  }
0x2f: {  	lr =	sadd.s32 s0, s3;
	s0 =	sld [smem:$0x3FA9]  }
0x30: {  	s3 =	sld [smem:$0x3FAC]  }
0x31: {  	[smem:$0x3FB5] =	sst s10  }
0x32: {  	s10 =	sld [smem:$0x3FB3];
	_ =	sdelay $0x3  }
0x33: {  	p0 =	seq.s32 s10, $0x1;
	s10 =	sld [smem:$0x3FB5];
	_ =	sdelay $0x3  }
0x34: {  	[smem:$0x3FB5] =	sst s10  }
0x35: {  	s10 =	sld [smem:$0x3FB4];
	_ =	sdelay $0x3  }
0x36: {  	p1 =	seq.s32 s10, $0x1;
	s10 =	sld [smem:$0x3FB5];
	_ =	sdelay $0x3  }
0x37: {  	[smem:$0x3FB5] =	sst s10  }
0x38: {  	s10 =	sld [smem:$0x3FB6]  }
0x39: {  	_ = 	snop;
	(pc) =	sbr.ind lr, $3  }
0x3a: {  	_ = 	snop  }
0x3b: {  	_ = 	snop  }
0x3c: {  	p2 =	seq.s32 s10, $0x1;
	s10 =	sld [smem:$0x3FB5]  }
0x3d: {  	_ =	shalt  }
0x3e: {  	_ =	shalt  }
0x3f: {  	_ =	shalt  }
0x40: {  	_ =	shalt  }
0x41: {  	_ =	shalt  }
0x42: {  	_ =	shalt  }
0x43: {  	_ =	shalt  }
0x44: {  	_ =	shalt  }
0x45: {  	_ =	shalt  }
0x46: {  	_ =	shalt  }
0x47: {  	_ =	shalt  }
0x48: {  	_ =	shalt  }
0x49: {  	_ =	shalt  }
0x4a: {  	_ =	shalt  }
0x4b: {  	_ =	shalt  }
0x4c: {  	_ =	shalt  }
0x4d: {  	_ =	shalt  }
0x4e: {  	_ =	shalt  }
0x4f: {  	_ =	shalt  }
0x50: {  	_ =	shalt  }
0x51: {  	_ =	shalt  }
0x52: {  	_ =	shalt  }
0x53: {  	_ =	shalt  }
0x54: {  	_ =	shalt  }
0x55: {  	_ =	shalt  }
0x56: {  	_ =	shalt  }
0x57: {  	_ =	shalt  }
0x58: {  	_ =	shalt  }
0x59: {  	_ =	shalt  }
0x5a: {  	_ =	shalt  }
0x5b: {  	_ =	shalt  }
0x5c: {  	_ =	shalt  }
0x5d: {  	_ =	shalt  }
0x5e: {  	_ =	shalt  }
0x5f: {  	_ =	shalt  }
0x60: {  	_ =	shalt  }
0x61: {  	_ =	shalt  }
0x62: {  	_ =	shalt  }
0x63: {  	_ =	shalt  }
0x64: {  	_ =	shalt  }
0x65: {  	_ =	shalt  }
0x66: {  	_ =	shalt  }
0x67: {  	_ =	shalt  }
0x68: {  	_ =	shalt  }
0x69: {  	_ =	shalt  }
0x6a: {  	_ =	shalt  }
0x6b: {  	_ =	shalt  }
0x6c: {  	_ =	shalt  }
0x6d: {  	_ =	shalt  }
0x6e: {  	_ =	shalt  }
0x6f: {  	_ =	shalt  }
0x70: {  	_ =	shalt  }
0x71: {  	_ =	shalt  }
0x72: {  	_ =	shalt  }
0x73: {  	_ =	shalt  }
0x74: {  	_ =	shalt  }
0x75: {  	_ =	shalt  }
0x76: {  	_ =	shalt  }
0x77: {  	_ =	shalt  }
0x78: {  	_ =	shalt  }
0x79: {  	_ =	shalt  }
0x7a: {  	_ =	shalt  }
0x7b: {  	_ =	shalt  }
0x7c: {  	_ =	shalt  }
0x7d: {  	_ =	shalt  }
0x7e: {  	_ =	shalt  }
0x7f: {  	_ =	shalt  }
0x80: {  	_ =	shalt  }
0x81: {  	_ =	shalt  }
0x82: {  	_ =	shalt  }
0x83: {  	_ =	shalt  }
0x84: {  	_ =	shalt  }
0x85: {  	_ =	shalt  }
0x86: {  	_ =	shalt  }
0x87: {  	_ =	shalt  }
.Lfunc_end0:
.L_simem_size_0:
called_computation_lowered:
.L_overlay_start_0:
0x88: {  	s2 =	sld [smem:$0x3FD9]  }
0x89: {  	s3 =	sld [smem:$0x3FFE];
	_ =	sdelay $0x1  }
0x8a: {  	s1 =	srdreg.scid  }
0x8b: {  	s0 =	sand.u32 $0x1, s1  }
0x8c: {  	s17 =	sshll.u32 s0, $0xA;
	s2 =	sadd.s32 s3, s2  }
0x8d: {  	s2 =	sadd.s32 s2, s17  }
0x8e: {  	[smem:$0x3FC1] =	sst s2  }
0x8f: {  	_ = 	snop  }
0x90: {  	s2 =	sld [smem:$0x3FC8]  }
0x91: {  	s18 =	sld [smem:$0x3FC7]  }
0x92: {  	s4 =	sld [smem:$0x3FD0];
	(tm) =	ssettm $0x1  }
0x93: {  	s5 =	sld [smem:$0x3FFB];
	_ =	sdelay $0x3  }
0x94: {  	_ =	strace s5  }
0x95: {  	s5 =	sld [smem:$0x3FFC];
	_ =	sdelay $0x3  }
0x96: {  	_ =	strace s5  }
0x97: {  	s5 =	sld [smem:$0x3FFD];
	_ =	sdelay $0x3  }
0x98: {  	_ =	strace s5  }
0x99: {  	_ =	strace $0x8FFFFFFF  }
0x9a: {  	s19 =	sld [smem:$0x3FDB];
	_ =	sdelay $0x1  }
0x9b: {  	s6 =	simm.s32 $_scs_section_size  }
0x9c: {  	s7 =	simm.s32 $_size__tile_overlayer_lowered;
	s8 =	simm.s32 $_tile_overlayer_lowered  }
0x9d: {  	s22 =	simm.s32 $0x1BFF;
	s21 =	sshll.u32 s8, $0x1;
	s5 =	sadd.s32 s6, s19  }
0x9e: {  	s9 =	simm.s32 $0x0;
	s20 =	sshll.u32 s7, $0x1;
	s7 =	sadd.s32 s21, s5  }
0x9f: {  	[timem:s9], [sflag:s22] =	dma.local [hbm:s7], s20  }
0xa0: {  	_ =	swait.ge [sflag:s22], s20  }
0xa1: {  	s6 =	ssub.s32 $0x0, s20;
	[sflag:s22] =	ssyncset.done $0x0  }
0xa2: {  	[sflag:s22] =	ssyncadd.s32 s6;
	_ =	sdelay $0x1  }
0xa3: {  	s23 =	simm.s32 $0x1B8B  }
0xa4: {  	_ =	swait.ge [sflag:s23], $0x1  }
0xa5: {  	[sflag:s23] =	ssyncset.done $0x0  }
0xa6: {  	s25 =	simm.s32 $0x1B8E;
	s24 =	sld [smem:$0x3FFE];
	[sflag:s23] =	ssyncadd.s32 $0xFFFFFFFF  }
0xa7: {  	s26 =	simm.s32 $execute0_lowered;
	[smem:$0x3FD2] =	sst s25  }
0xa8: {  	s7 =	sshll.u32 s26, $0x1;
	_ =	strace $0x80000046;
	[dreg:$0x1] =	wrdreg $0xFFFFFFFF  }
0xa9: {  	s28 =	simm.s32 $_size_execute0_lowered;
	s5 =	sadd.s32 s5, s7;
	[dreg:$0x0] =	wrdreg $0x0  }
0xaa: {  	s7 =	sshll.u32 s28, $0x1;
	[dreg:$0x2] =	wrdreg s5  }
0xab: {  	[dreg:$0x3] =	wrdreg s7  }
0xac: {  	[dreg:$0x4] =	wrdreg $0xC0  }
0xad: {  	_ =	task [dreg:s9], $0x5FFFF  }
0xae: {  	[dreg:$0x1] =	wrdreg $0xFFFFFFFF  }
0xaf: {  	[dreg:$0x0] =	wrdreg $0x60  }
0xb0: {  	[dreg:$0x2] =	wrdreg s2  }
0xb1: {  	[dreg:$0x3] =	wrdreg s18  }
0xb2: {  	[dreg:$0x4] =	wrdreg s4  }
0xb3: {  	[dreg:$0x5] =	wrdreg s24  }
0xb4: {  	[dreg:$0x6] =	wrdreg $0xA1800  }
0xb5: {  	[dreg:$0x7] =	wrdreg $0x9  }
0xb6: {  	_ =	task.clear_ibuf [dreg:s9], $0x8FFFF;
	_ =	strace $0x90000046  }
0xb7: {  	s29 =	simm.s32 $0x9;
	_ =	strace $0x80000048  }
0xb8: {  	_ =	swait.ge [sflag:s29], $0x1  }
0xb9: {  	[sflag:s29] =	ssyncadd.s32 $0xFFFFFFFF  }
0xba: {  	_ =	strace $0x90000048  }
0xbb: {  	_ =	sfence  }
0xbc: {  	s30 =	sld [smem:$0x0];
	_ =	sdelay $0x2  }
0xbd: {  	s31 =	sshll.u32 s1, $0xD;
	s1 =	sshrl.u32 s1, $0x2  }
0xbe: {  	s3 =	sand.u32 $0x4000, s31;
	s1 =	sadd.s32 s1, s30  }
0xbf: {  	s0 =	sor.u32 s3, s0;
	s1 =	sshll.u32 s1, $0x11  }
0xc0: {  	s0 =	sor.u32 s1, s0  }
0xc1: {  	s0 =	sadd.s32 $0x8F2B, s0  }
0xc2: {  	[sflag:s0] =	ssyncadd.remote.s32 $0x1  }
0xc3: {  	_ =	sfence.sel $0xFFFF  }
0xc4: {  	[dreg:$0x0] =	wrdreg $0xFFFFFFFF;
	(pc) =	sbr.abs _section_cstart, $3  }
0xc5: {  	[dreg:$0x1] =	wrdreg $0xFFFFFFFF  }
0xc6: {  	_ =	task.clear_ibuf [dreg:s9], $0x2FFFF;
	_ =	strace $0x9FFFFFFF  }
0xc7: {  	(tm) =	ssettm $0x7FFFFFFF  }
tec
execute0_lowered:
.L_overlay_start_1:
0x0: {  	(tag) =	ssettag $0x1  }
0x1: {  	s0 =	rddreg [dreg:$0x0]  }
0x2: {  	s1 =	rddreg [dreg:$0x1]  }
0x3: {  	s13 =	rddreg [dreg:$0x2]  }
0x4: {  	s2 =	rddreg [dreg:$0x3];
	s4 =	srdreg.scid  }
0x5: {  	s14 =	stileid.u32;
	s3 =	rddreg [dreg:$0x4]  }
0x6: {  	s5 =	sand.u32 $0x1, s4;
	s6 =	sshll.u32 s14, $0x1;
	s4 =	simm.s32 $0x0  }
0x7: {  	s15 =	sadd.s32 $0xB800, s2;
	s2 =	sadd.s32 $0x1A00, s2;
	s11 =	smul.u32 $0x4E000, s14  }
0x8: {  	s26 =	smul.u32 $0x4E200, s14;
	p1 =	sne.s32 s14, $0x0;
	p2 =	seq.s32 s14, $0x0  }
0x9: {  	s6 =	sor.u32 s5, s6;
	[smem:$0x7FF] =	sst s4;
	s29 =	smul.u32 $0x27100, s5  }
0xa: {  	s7 =	ssub.s32 $0x2, s5;
	p0 =	seq.s32 s5, $0x1;
	s5 =	smul.u32 $0x2710, s5  }
0xb: {  	s10 =	smul.u32 $0x2710, s6;
	_ =	strace $0x80000047;
	s8 =	sshrl.u32 s7, $0x1  }
0xc: {  	s6 =	smul.u32 $0x27100, s6;
	s16 =	sshrl.u32 s11, $0x2;
	[dreg:$0x6] =	wrdreg s15  }
0xd: {  	s7 =	ssub.s32 s7, s8;
	s31 =	sshrl.u32 s10, $0x2;
	s9 =	sand.u32 $0x70, s10  }
0xe: {  	s12 =	sshrl.u32 s10, $0x3;
	s11 =	sadd.s32 $0x50, s10;
	s17 =	sadd.s32 s1, s6  }
0xf: {  	s20 =	sadd.s32 $0xA0, s10;
	s22 =	sadd.s32 $0xF0, s10;
	s10 =	sadd.s32 $0x26C0, s10  }
0x10: {  	[dreg:$0x7] =	wrdreg s9;
	s8 =	sand.u32 $0x1FFE0, s31;
	s9 =	sadd.s32 s16, s3  }
0x11: {  	[dreg:$0x9] =	wrdreg s17;
	s18 =	sshrl.u32 s11, $0x3;
	s19 =	sshll.u32 s11, $0x4  }
0x12: {  	s21 =	sshrl.u32 s20, $0x3;
	s23 =	sshll.u32 s20, $0x4;
	s24 =	sshrl.u32 s22, $0x3  }
0x13: {  	s28 =	sshll.u32 s22, $0x4;
	s30 =	sshrl.u32 s10, $0x3;
	s0 =	sadd.s32 s0, s8  }
0x14: {  	s10 =	sshll.u32 s10, $0x4;
	s25 =	sadd.s32 s2, s24;
	[dreg:$0x8] =	wrdreg s0  }
0x15: {  	s11 =	simm.s32 $0x5180;
	s6 =	sadd.s32 s1, s28;
	[dreg:$0xe] =	wrdreg s25  }
0x16: {  	s8 =	sadd.s32 s2, s12;
	s31 =	sadd.s32 s1, s10;
	[dreg:$0xf] =	wrdreg s6  }
0x17: {  	s12 =	smul.u32 $0x4E20, s14;
	s24 =	smax.u32 s7, $0x1;
	[dreg:$0x11] =	wrdreg s31  }
0x18: {  	s10 =	smul.u32 $0x2700, s14;
	s28 =	sadd.s32 $0x7800, s9;
	[dreg:$0x14] =	wrdreg s24  }
0x19: {  	s7 =	simm.s32 $0x2800;
	s0 =	sadd.s32 s2, s18;
	[dreg:$0x17] =	wrdreg s28  }
0x1a: {  	s14 =	simm.s32 $0x2900;
	s6 =	sadd.s32 s2, s30;
	[dreg:$0xa] =	wrdreg s0  }
0x1b: {  	s25 =	sadd.s32 $0x2800, s9;
	s30 =	sadd.s32 $0xC800, s9;
	[dreg:$0x10] =	wrdreg s6  }
0x1c: {  	s31 =	sadd.s32 $0xF000, s9;
	s24 =	simm.s32 $0x7;
	[dreg:$0x15] =	wrdreg s25  }
0x1d: {  	s0 =	sadd.s32 s1, s19;
	s16 =	sadd.s32 s5, s12;
	[dreg:$0x19] =	wrdreg s30  }
0x1e: {  	s18 =	sadd.s32 s13, s10;
	[dreg:$0x1a] =	wrdreg s31;
	s12 =	simm.s32 $0x1  }
0x1f: {  	s13 =	simm.s32 $0x50;
	s25 =	simm.s32 $0x0;
	[dreg:$0xb] =	wrdreg s0  }
0x20: {  	s0 =	sadd.s32 s2, s21;
	s5 =	sadd.s32 $0x1E0, s16;
	[dreg:$0x12] =	wrdreg s18  }
0x21: {  	s17 =	sadd.s32 $0x190, s16;
	s18 =	simm.s32 $0x6;
	[dreg:$0xc] =	wrdreg s0  }
0x22: {  	s0 =	sadd.s32 s1, s23;
	s5 =	sshrl.u32 s5, $0x3;
	s6 =	sshrl.u32 s17, $0x3  }
0x23: {  	s23 =	sadd.s32 s15, s10;
	s10 =	simm.s32 $0x2880;
	s15 =	simm.s32 $0x7980  }
0x24: {  	s17 =	simm.s32 $0x3;
	[dreg:$0xd] =	wrdreg s0;
	s0 =	sadd.s32 s26, s1  }
0x25: {  	s20 =	sadd.s32 s5, s2;
	s21 =	sadd.s32 s6, s2;
	[dreg:$0x13] =	wrdreg s23  }
.Ltmp0:
0x26: {  	s26 =	sadd.s32 $0x5000, s9;
	s5 =	sadd.s32 $0x138000, s3;
	(pc) =	sbr.rel .LBB2_1-.Ltmp0, $4  }
0x27: {  	s23 =	simm.s32 $0x2980;
	s6 =	simm.s32 $0x5;
	s19 =	sadd.s32 s29, s0  }
0x28: {  	s0 =	sadd.s32 $0x140, s16;
	[dreg:$0x16] =	wrdreg s26;
	s29 =	sadd.s32 $0xA000, s9  }
0x29: {  	s16 =	simm.s32 $0x2;
	s0 =	sshrl.u32 s0, $0x3;
	[dreg:$0x18] =	wrdreg s29  }
0x2a: {  	v0 =	vimm.f32 $0.0e+00;
	s22 =	sadd.s32 s0, s2;
	s0 =	sadd.s32 $0x11800, s9;
	s2 =	simm.s32 $0x4  }
.LBB2_8:
0x2b: {  	s1 =	sadd.s32 $0x27000, s28;
	s31 =	sshrl.u32 s5, $0x3  }
0x2c: {  	[hbm:s1], [sflag:s26] =	dma.local [spmem:s31], $0x100  }
0x2d: {  	_ =	swait.ge [sflag:s24], $0x100  }
0x2e: {  	[sflag:s24] =	ssyncset.done $0x0  }
0x2f: {  	[sflag:s24] =	ssyncadd.s32 $0xFFFFFF00  }
.LBB2_9:
0x30: {  	s25 =	sadd.s32 $0x1, s25;
	s1 =	rddreg [dreg:$0x14]  }
0x31: {  	p3 =	sne.s32 s25, s1  }
.Ltmp1:
0x32: {  	_ = 	snop;
	(pc) =	sbr.rel @!p3 .LBB2_10-.Ltmp1, $1  }
0x33: {  	_ =	sdelay $0x3  }
.LBB2_1:
0x34: {  	s1 =	rddreg [dreg:$0x8];
	s26 =	simm.s32 $0x80;
	s28 =	simm.s32 $0x100  }
0x35: {  	[tilespmem:s4], [sflag:$0x7] =	stream.strided.gather [hbm4b:s1+s26], $0x2800, s28, s26, $0x38;
	[tilespmem:$0x1DA00] =	vst v63  }
0x36: {  	_ =	swait.ge [sflag:s24], $0x2800  }
0x37: {  	s26 =	simm.s32 $0x0;
	[sflag:s24] =	ssyncset.done $0x0  }
0x38: {  	s28 =	simm.s32 $0x200;
	s31 =	rddreg [dreg:$0x7];
	[sflag:s24] =	ssyncadd.s32 $0xFFFFD800  }
0x39: {  	[hbm4b:s8+s4] =	stream.linear.scatter [tilespmem:s31], [sflag:$0x4], $0x2710, $0x38;
	[tilespmem:$0x1DA00] =	vst v63  }
.LBB2_2:
0x3a: {  	p3 =	sne.s32 s28, $0x9E00;
	[tilespmem:s26+$0x29F0] =	vst v0  }
0x3b: {  	[tilespmem:s26+$0x2980] =	vst v0  }
0x3c: {  	[tilespmem:s26+$0x2990] =	vst v0  }
.Ltmp2:
0x3d: {  	[tilespmem:s26+$0x29A0] =	vst v0;
	(pc) =	sbr.rel @p3 .LBB2_2-.Ltmp2, $4  }
0x3e: {  	[tilespmem:s26+$0x29B0] =	vst v0  }
0x3f: {  	[tilespmem:s26+$0x29C0] =	vst v0  }
0x40: {  	[tilespmem:s26+$0x29D0] =	vst v0  }
0x41: {  	[tilespmem:s26+$0x29E0] =	vst v0;
	s26 =	sshra.s32 s28, $0x2;
	s28 =	sadd.s32 $0x200, s28  }
0x42: {  	[tilespmem:s26+$0x29F0] =	vst v0  }
0x43: {  	[tilespmem:s26+$0x2980] =	vst v0  }
0x44: {  	[tilespmem:s26+$0x2990] =	vst v0  }
0x45: {  	[tilespmem:s26+$0x29A0] =	vst v0  }
0x46: {  	[tilespmem:s26+$0x29B0] =	vst v0  }
0x47: {  	[tilespmem:s26+$0x29C0] =	vst v0  }
0x48: {  	[tilespmem:s26+$0x29D0] =	vst v0  }
0x49: {  	[tilespmem:s26+$0x29E0] =	vst v0  }
0x4a: {  	[spmem:s9] =	stream.linear.scatter [tilespmem:s23], [sflag:$0x5], $0x2800, $0x38;
	[tilespmem:$0x1DA00] =	vst v63  }
0x4b: {  	s1 =	rddreg [dreg:$0x15]  }
0x4c: {  	[spmem:s1] =	stream.linear.scatter [tilespmem:s23], [sflag:$0x5], $0x2800, $0x38;
	[tilespmem:$0x1DA00] =	vst v63  }
0x4d: {  	s26 =	rddreg [dreg:$0x16]  }
0x4e: {  	[spmem:s26] =	stream.linear.scatter [tilespmem:s23], [sflag:$0x5], $0x2800, $0x38;
	[tilespmem:$0x1DA00] =	vst v63  }
0x4f: {  	s26 =	rddreg [dreg:$0x17]  }
0x50: {  	[spmem:s26] =	stream.linear.scatter [tilespmem:s23], [sflag:$0x5], $0x2800, $0x38;
	[tilespmem:$0x1DA00] =	vst v63  }
0x51: {  	s26 =	rddreg [dreg:$0x18]  }
0x52: {  	[spmem:s26] =	stream.linear.scatter [tilespmem:s23], [sflag:$0x5], $0x2800, $0x38;
	[tilespmem:$0x1DA00] =	vst v63  }
0x53: {  	s26 =	rddreg [dreg:$0x19]  }
0x54: {  	[spmem:s26] =	stream.linear.scatter [tilespmem:s23], [sflag:$0x5], $0x2800, $0x38;
	[tilespmem:$0x1DA00] =	vst v63  }
0x55: {  	s26 =	rddreg [dreg:$0x1a]  }
0x56: {  	[spmem:s26] =	stream.linear.scatter [tilespmem:s23], [sflag:$0x5], $0x2800, $0x38;
	[tilespmem:$0x1DA00] =	vst v63  }
0x57: {  	_ = 	snop  }
0x58: {  	[spmem:s0] =	stream.linear.scatter [tilespmem:s23], [sflag:$0x5], $0x2000, $0x38;
	[tilespmem:$0x1DA00] =	vst v63  }
0x59: {  	s26 =	simm.s32 @!p1 $0x2980  }
0x5a: {  	[spmem:s5] =	stream.linear.scatter @!p1 [tilespmem:s26], [sflag:$0x6], $0x800, $0x38;
	[tilespmem:$0x1DA00] =	vst v63  }
0x5b: {  	s26 =	simm.s32 @!p1 $0x6  }
0x5c: {  	_ =	swait.ge @!p1 [sflag:s26], $0x800  }
0x5d: {  	[sflag:s26] =	ssyncset.done @!p1 $0x0  }
0x5e: {  	[sflag:s26] =	ssyncadd.s32 @!p1 $0xFFFFF800  }
0x5f: {  	_ =	swait.ge [sflag:s2], $0x2710  }
0x60: {  	[sflag:s2] =	ssyncset.done $0x0  }
0x61: {  	[sflag:s2] =	ssyncadd.s32 $0xFFFFD8F0  }
0x62: {  	_ =	swait.ge [sflag:s6], $0x2800  }
0x63: {  	[sflag:s6] =	ssyncset.done $0x0  }
0x64: {  	[sflag:s6] =	ssyncadd.s32 $0xFFFFD800  }
0x65: {  	_ =	swait.ge [sflag:s6], $0x2800  }
0x66: {  	[sflag:s6] =	ssyncset.done $0x0  }
0x67: {  	[sflag:s6] =	ssyncadd.s32 $0xFFFFD800  }
0x68: {  	_ =	swait.ge [sflag:s6], $0x2800  }
0x69: {  	[sflag:s6] =	ssyncset.done $0x0  }
0x6a: {  	[sflag:s6] =	ssyncadd.s32 $0xFFFFD800  }
0x6b: {  	_ =	swait.ge [sflag:s6], $0x2800  }
0x6c: {  	[sflag:s6] =	ssyncset.done $0x0  }
0x6d: {  	[sflag:s6] =	ssyncadd.s32 $0xFFFFD800  }
0x6e: {  	_ =	swait.ge [sflag:s6], $0x2800  }
0x6f: {  	[sflag:s6] =	ssyncset.done $0x0  }
0x70: {  	[sflag:s6] =	ssyncadd.s32 $0xFFFFD800  }
0x71: {  	_ =	swait.ge [sflag:s6], $0x2800  }
0x72: {  	[sflag:s6] =	ssyncset.done $0x0  }
0x73: {  	[sflag:s6] =	ssyncadd.s32 $0xFFFFD800  }
0x74: {  	_ =	swait.ge [sflag:s6], $0x2800  }
0x75: {  	[sflag:s6] =	ssyncset.done $0x0  }
0x76: {  	[sflag:s6] =	ssyncadd.s32 $0xFFFFD800  }
0x77: {  	_ =	swait.ge [sflag:s6], $0x2000  }
0x78: {  	[sflag:s6] =	ssyncset.done $0x0  }
0x79: {  	s26 =	simm.s32 $0x0;
	[sflag:s6] =	ssyncadd.s32 $0xFFFFE000  }
0x7a: {  	[tilespmem:s7], [sflag:$0x1] =	stream.linear.gather [hbm4b:s8+s26], $0x50, $0x38;
	[tilespmem:$0x1DA00] =	vst v63  }
0x7b: {  	s1 =	rddreg [dreg:$0x9]  }
0x7c: {  	[tilespmem:s23], [sflag:$0x1] =	stream.linear.gather [hbm4b:s1+s26], $0x2800, $0x38;
	[tilespmem:$0x1DA00] =	vst v63  }
0x7d: {  	s1 =	rddreg [dreg:$0xa]  }
0x7e: {  	[tilespmem:s10], [sflag:$0x2] =	stream.linear.gather [hbm4b:s1+s26], $0x50, $0x38;
	[tilespmem:$0x1DA00] =	vst v63  }
0x7f: {  	s1 =	rddreg [dreg:$0xb]  }
0x80: {  	[tilespmem:s11], [sflag:$0x2] =	stream.linear.gather [hbm4b:s1+s26], $0x2800, $0x38;
	[tilespmem:$0x1DA00] =	vst v63  }
0x81: {  	[bflag:$0x0] =	sbarrier.arrive $0xFFFF  }
0x82: {  	_ =	swait.ge [sflag:s12], $0x50  }
0x83: {  	[sflag:s12] =	ssyncset.done $0x0  }
0x84: {  	[sflag:s12] =	ssyncadd.s32 $0xFFFFFFB0  }
0x85: {  	_ =	swait.ge [sflag:s12], $0x2800  }
0x86: {  	[sflag:s12] =	ssyncset.done $0x0  }
0x87: {  	[sflag:s12] =	ssyncadd.s32 $0xFFFFD800  }
0x88: {  	[spmem:s3] =	stream.indirect.scatter.add.f32 [tilespmem:s23], [sflag:$0x4], $0x80, s7, s13, $0xb8;
	[tilespmem:$0x1DA00] =	vst v63  }
0x89: {  	s1 =	rddreg [dreg:$0xc]  }
0x8a: {  	[tilespmem:s14], [sflag:$0x3] =	stream.linear.gather [hbm4b:s1+s26], $0x50, $0x38;
	[tilespmem:$0x1DA00] =	vst v63  }
0x8b: {  	s1 =	rddreg [dreg:$0xd]  }
0x8c: {  	[tilespmem:s15], [sflag:$0x3] =	stream.linear.gather [hbm4b:s1+s26], $0x2800, $0x38;
	[tilespmem:$0x1DA00] =	vst v63  }
0x8d: {  	_ =	swait.ge [sflag:s16], $0x50  }
0x8e: {  	[sflag:s16] =	ssyncset.done $0x0  }
0x8f: {  	[sflag:s16] =	ssyncadd.s32 $0xFFFFFFB0  }
0x90: {  	_ =	swait.ge [sflag:s16], $0x2800  }
0x91: {  	[sflag:s16] =	ssyncset.done $0x0  }
0x92: {  	[sflag:s16] =	ssyncadd.s32 $0xFFFFD800  }
0x93: {  	[spmem:s3] =	stream.indirect.scatter.add.f32 [tilespmem:s11], [sflag:$0x5], $0x80, s10, s13, $0xb8;
	[tilespmem:$0x1DA00] =	vst v63  }
0x94: {  	_ =	swait.ge [sflag:s2], $0x2800  }
0x95: {  	[sflag:s2] =	ssyncset.done $0x0  }
0x96: {  	s1 =	rddreg [dreg:$0xe];
	[sflag:s2] =	ssyncadd.s32 $0xFFFFD800  }
0x97: {  	[tilespmem:s7], [sflag:$0x1] =	stream.linear.gather [hbm4b:s1+s26], $0x50, $0x38;
	[tilespmem:$0x1DA00] =	vst v63  }
0x98: {  	s1 =	rddreg [dreg:$0xf]  }
0x99: {  	[tilespmem:s23], [sflag:$0x1] =	stream.linear.gather [hbm4b:s1+s26], $0x2800, $0x38;
	[tilespmem:$0x1DA00] =	vst v63  }
0x9a: {  	_ =	swait.ge [sflag:s17], $0x50  }
0x9b: {  	[sflag:s17] =	ssyncset.done $0x0  }
0x9c: {  	[sflag:s17] =	ssyncadd.s32 $0xFFFFFFB0  }
0x9d: {  	_ =	swait.ge [sflag:s17], $0x2800  }
0x9e: {  	[sflag:s17] =	ssyncset.done $0x0  }
0x9f: {  	[sflag:s17] =	ssyncadd.s32 $0xFFFFD800  }
0xa0: {  	[spmem:s3] =	stream.indirect.scatter.add.f32 [tilespmem:s15], [sflag:$0x6], $0x80, s14, s13, $0xb8;
	[tilespmem:$0x1DA00] =	vst v63  }
0xa1: {  	_ =	swait.ge [sflag:s6], $0x2800  }
0xa2: {  	[sflag:s6] =	ssyncset.done $0x0  }
0xa3: {  	s29 =	sadd.s32 $0x0, s19;
	[sflag:s6] =	ssyncadd.s32 $0xFFFFD800  }
0xa4: {  	[tilespmem:s10], [sflag:$0x2] =	stream.linear.gather [hbm4b:s22+s4], $0x50, $0x38;
	[tilespmem:$0x1DA00] =	vst v63  }
0xa5: {  	s1 =	sadd.s32 $0x1400, s29  }
0xa6: {  	[tilespmem:s11], [sflag:$0x2] =	stream.linear.gather [hbm4b:s1+s4], $0x2800, $0x38;
	[tilespmem:$0x1DA00] =	vst v63  }
0xa7: {  	_ =	swait.ge [sflag:s12], $0x50  }
0xa8: {  	[sflag:s12] =	ssyncset.done $0x0  }
0xa9: {  	[sflag:s12] =	ssyncadd.s32 $0xFFFFFFB0  }
0xaa: {  	_ =	swait.ge [sflag:s12], $0x2800  }
0xab: {  	[sflag:s12] =	ssyncset.done $0x0  }
0xac: {  	[sflag:s12] =	ssyncadd.s32 $0xFFFFD800  }
0xad: {  	[spmem:s3] =	stream.indirect.scatter.add.f32 [tilespmem:s23], [sflag:$0x4], $0x80, s7, s13, $0xb8;
	[tilespmem:$0x1DA00] =	vst v63  }
0xae: {  	_ =	swait.ge [sflag:s18], $0x2800  }
0xaf: {  	[sflag:s18] =	ssyncset.done $0x0  }
0xb0: {  	[sflag:s18] =	ssyncadd.s32 $0xFFFFD800  }
0xb1: {  	[tilespmem:s14], [sflag:$0x3] =	stream.linear.gather [hbm4b:s21+s4], $0x50, $0x38;
	[tilespmem:$0x1DA00] =	vst v63  }
0xb2: {  	s1 =	sadd.s32 $0x1900, s29  }
0xb3: {  	[tilespmem:s15], [sflag:$0x3] =	stream.linear.gather [hbm4b:s1+s4], $0x2800, $0x38;
	[tilespmem:$0x1DA00] =	vst v63  }
0xb4: {  	_ =	swait.ge [sflag:s16], $0x50  }
0xb5: {  	[sflag:s16] =	ssyncset.done $0x0  }
0xb6: {  	[sflag:s16] =	ssyncadd.s32 $0xFFFFFFB0  }
0xb7: {  	_ =	swait.ge [sflag:s16], $0x2800  }
0xb8: {  	[sflag:s16] =	ssyncset.done $0x0  }
0xb9: {  	[sflag:s16] =	ssyncadd.s32 $0xFFFFD800  }
0xba: {  	[spmem:s3] =	stream.indirect.scatter.add.f32 [tilespmem:s11], [sflag:$0x5], $0x80, s10, s13, $0xb8;
	[tilespmem:$0x1DA00] =	vst v63  }
0xbb: {  	s28 =	sadd.s32 $0x1E, s22;
	_ =	swait.ge [sflag:s2], $0x2800  }
0xbc: {  	s30 =	sadd.s32 $0x1E, s21;
	s31 =	sadd.s32 $0x1E00, s29;
	[sflag:s2] =	ssyncset.done $0x0  }
0xbd: {  	s26 =	simm.s32 $0xF00;
	s29 =	sadd.s32 $0x1E, s20;
	[sflag:s2] =	ssyncadd.s32 $0xFFFFD800  }
0xbe: {  	[tilespmem:s7], [sflag:$0x1] =	stream.linear.gather [hbm4b:s20+s4], $0x50, $0x38;
	[tilespmem:$0x1DA00] =	vst v63  }
.LBB2_4:
0xbf: {  	[tilespmem:s23], [sflag:$0x1] =	stream.linear.gather [hbm4b:s31+s4], $0x2800, $0x38;
	[tilespmem:$0x1DA00] =	vst v63  }
0xc0: {  	s31 =	smov.u32 s26  }
0xc1: {  	p3 =	sne.s32 s26, $0x24900;
	s26 =	sadd.s32 $0xF00, s26;
	_ =	swait.ge [sflag:s17], $0x50  }
0xc2: {  	[sflag:s17] =	ssyncset.done $0x0  }
0xc3: {  	[sflag:s17] =	ssyncadd.s32 $0xFFFFFFB0  }
0xc4: {  	_ =	swait.ge [sflag:s17], $0x2800  }
0xc5: {  	[sflag:s17] =	ssyncset.done $0x0  }
0xc6: {  	[sflag:s17] =	ssyncadd.s32 $0xFFFFD800  }
0xc7: {  	[spmem:s3] =	stream.indirect.scatter.add.f32 [tilespmem:s15], [sflag:$0x6], $0x80, s14, s13, $0xb8;
	[tilespmem:$0x1DA00] =	vst v63  }
0xc8: {  	_ =	swait.ge [sflag:s6], $0x2800  }
0xc9: {  	[sflag:s6] =	ssyncset.done $0x0  }
0xca: {  	s31 =	sadd.s32 s31, s19;
	[sflag:s6] =	ssyncadd.s32 $0xFFFFD800  }
0xcb: {  	[tilespmem:s10], [sflag:$0x2] =	stream.linear.gather [hbm4b:s28+s4], $0x50, $0x38;
	[tilespmem:$0x1DA00] =	vst v63  }
0xcc: {  	s1 =	sadd.s32 $0x1400, s31  }
0xcd: {  	[tilespmem:s11], [sflag:$0x2] =	stream.linear.gather [hbm4b:s1+s4], $0x2800, $0x38;
	[tilespmem:$0x1DA00] =	vst v63  }
0xce: {  	_ =	swait.ge [sflag:s12], $0x50  }
0xcf: {  	[sflag:s12] =	ssyncset.done $0x0  }
0xd0: {  	[sflag:s12] =	ssyncadd.s32 $0xFFFFFFB0  }
0xd1: {  	_ =	swait.ge [sflag:s12], $0x2800  }
0xd2: {  	[sflag:s12] =	ssyncset.done $0x0  }
0xd3: {  	[sflag:s12] =	ssyncadd.s32 $0xFFFFD800  }
0xd4: {  	[spmem:s3] =	stream.indirect.scatter.add.f32 [tilespmem:s23], [sflag:$0x4], $0x80, s7, s13, $0xb8;
	[tilespmem:$0x1DA00] =	vst v63  }
0xd5: {  	_ =	swait.ge [sflag:s18], $0x2800  }
0xd6: {  	[sflag:s18] =	ssyncset.done $0x0  }
0xd7: {  	[sflag:s18] =	ssyncadd.s32 $0xFFFFD800  }
0xd8: {  	[tilespmem:s14], [sflag:$0x3] =	stream.linear.gather [hbm4b:s30+s4], $0x50, $0x38;
	[tilespmem:$0x1DA00] =	vst v63  }
0xd9: {  	s1 =	sadd.s32 $0x1900, s31  }
0xda: {  	[tilespmem:s15], [sflag:$0x3] =	stream.linear.gather [hbm4b:s1+s4], $0x2800, $0x38;
	[tilespmem:$0x1DA00] =	vst v63  }
0xdb: {  	_ =	swait.ge [sflag:s16], $0x50  }
0xdc: {  	[sflag:s16] =	ssyncset.done $0x0  }
0xdd: {  	[sflag:s16] =	ssyncadd.s32 $0xFFFFFFB0  }
0xde: {  	_ =	swait.ge [sflag:s16], $0x2800  }
0xdf: {  	[sflag:s16] =	ssyncset.done $0x0  }
0xe0: {  	[sflag:s16] =	ssyncadd.s32 $0xFFFFD800  }
0xe1: {  	[spmem:s3] =	stream.indirect.scatter.add.f32 [tilespmem:s11], [sflag:$0x5], $0x80, s10, s13, $0xb8;
	[tilespmem:$0x1DA00] =	vst v63  }
.Ltmp3:
0xe2: {  	_ =	swait.ge [sflag:s2], $0x2800;
	(pc) =	sbr.rel @p3 .LBB2_4-.Ltmp3, $4  }
0xe3: {  	[sflag:s2] =	ssyncset.done $0x0  }
0xe4: {  	s28 =	sadd.s32 $0x1E, s28;
	[sflag:s2] =	ssyncadd.s32 $0xFFFFD800  }
0xe5: {  	[tilespmem:s7], [sflag:$0x1] =	stream.linear.gather [hbm4b:s29+s4], $0x50, $0x38;
	[tilespmem:$0x1DA00] =	vst v63  }
0xe6: {  	s31 =	sadd.s32 $0x1E00, s31;
	s30 =	sadd.s32 $0x1E, s30;
	s29 =	sadd.s32 $0x1E, s29  }
0xe7: {  	[tilespmem:s23], [sflag:$0x1] =	stream.linear.gather [hbm4b:s31+s4], $0x2800, $0x38;
	[tilespmem:$0x1DA00] =	vst v63  }
0xe8: {  	_ =	swait.ge [sflag:s17], $0x50  }
0xe9: {  	[sflag:s17] =	ssyncset.done $0x0  }
0xea: {  	[sflag:s17] =	ssyncadd.s32 $0xFFFFFFB0  }
0xeb: {  	_ =	swait.ge [sflag:s17], $0x2800  }
0xec: {  	[sflag:s17] =	ssyncset.done $0x0  }
0xed: {  	[sflag:s17] =	ssyncadd.s32 $0xFFFFD800  }
0xee: {  	[spmem:s3] =	stream.indirect.scatter.add.f32 [tilespmem:s15], [sflag:$0x6], $0x80, s14, s13, $0xb8;
	[tilespmem:$0x1DA00] =	vst v63  }
0xef: {  	_ =	swait.ge [sflag:s6], $0x2800  }
0xf0: {  	[sflag:s6] =	ssyncset.done $0x0  }
0xf1: {  	s1 =	rddreg [dreg:$0x10];
	[sflag:s6] =	ssyncadd.s32 $0xFFFFD800  }
0xf2: {  	[tilespmem:s10], [sflag:$0x2] =	stream.linear.gather [hbm4b:s1+s4], $0x50, $0x38;
	[tilespmem:$0x1DA00] =	vst v63  }
0xf3: {  	s30 =	rddreg [dreg:$0x11]  }
0xf4: {  	[tilespmem:s11], [sflag:$0x2] =	stream.linear.gather [hbm4b:s30+s4], $0x2800, $0x38;
	[tilespmem:$0x1DA00] =	vst v63  }
0xf5: {  	_ =	swait.ge [sflag:s12], $0x50  }
0xf6: {  	[sflag:s12] =	ssyncset.done $0x0  }
0xf7: {  	[sflag:s12] =	ssyncadd.s32 $0xFFFFFFB0  }
0xf8: {  	_ =	swait.ge [sflag:s12], $0x2800  }
0xf9: {  	[sflag:s12] =	ssyncset.done $0x0  }
0xfa: {  	[sflag:s12] =	ssyncadd.s32 $0xFFFFD800  }
0xfb: {  	[spmem:s3] =	stream.indirect.scatter.add.f32 [tilespmem:s23], [sflag:$0x4], $0x80, s7, s13, $0xb8;
	[tilespmem:$0x1DA00] =	vst v63  }
0xfc: {  	_ =	swait.ge [sflag:s18], $0x2800  }
0xfd: {  	[sflag:s18] =	ssyncset.done $0x0  }
0xfe: {  	[sflag:s18] =	ssyncadd.s32 $0xFFFFD800  }
0xff: {  	_ =	swait.ge [sflag:s16], $0x50  }
0x100: {  	[sflag:s16] =	ssyncset.done $0x0  }
0x101: {  	[sflag:s16] =	ssyncadd.s32 $0xFFFFFFB0  }
0x102: {  	_ =	swait.ge [sflag:s16], $0x2800  }
0x103: {  	[sflag:s16] =	ssyncset.done $0x0  }
0x104: {  	[sflag:s16] =	ssyncadd.s32 $0xFFFFD800  }
0x105: {  	[spmem:s3] =	stream.indirect.scatter.add.f32 [tilespmem:s11], [sflag:$0x5], $0x80, s10, s13, $0xb8;
	[tilespmem:$0x1DA00] =	vst v63  }
0x106: {  	_ =	swait.ge [sflag:s2], $0x2800  }
0x107: {  	[sflag:s2] =	ssyncset.done $0x0  }
0x108: {  	[sflag:s2] =	ssyncadd.s32 $0xFFFFD800  }
.Ltmp4:
0x109: {  	_ =	swait.ge [sflag:s6], $0x2800;
	(pc) =	sbr.rel @!p0 .LBB2_6-.Ltmp4, $4  }
0x10a: {  	[sflag:s6] =	ssyncset.done $0x0  }
0x10b: {  	s31 =	stileid.u32;
	[sflag:s6] =	ssyncadd.s32 $0xFFFFD800  }
0x10c: {  	s29 =	sshll.u32 s31, $0x6;
	[bflag:$0x0] =	sbarrier.arrive $0xFFFF  }
0x10d: {  	s28 =	sshrl.u32 s9, $0x3;
	s26 =	sor.u32 $0x1C07, s29  }
0x10e: {  	s26 =	sor.u32 $0x1C07, s29;
	s1 =	rddreg [dreg:$0x13]  }
0x10f: {  	[hbm:s1], [sflag:s26] =	dma.local [spmem:s28], $0x2700  }
.Ltmp5:
0x110: {  	_ = 	snop;
	(pc) =	sbr.rel @p1 .LBB2_9-.Ltmp5, $4  }
.Ltmp6:
0x111: {  	_ = 	snop;
	(pc) =	sbr.rel @!p1 .LBB2_8-.Ltmp6, $4  }
0x112: {  	_ =	swait.ge [sflag:s24], $0x2700  }
0x113: {  	[sflag:s24] =	ssyncset.done $0x0  }
0x114: {  	s28 =	rddreg [dreg:$0x6];
	[sflag:s24] =	ssyncadd.s32 $0xFFFFD900  }
0x115: {  	_ = 	snop  }
.LBB2_6:
0x116: {  	s1 =	rddreg [dreg:$0x12]  }
0x117: {  	[hbm:s1], [sflag:s26] =	dma.local [spmem:s28], $0x2700  }
.Ltmp7:
0x118: {  	_ = 	snop;
	(pc) =	sbr.rel @!p2 .LBB2_9-.Ltmp7, $4  }
.Ltmp8:
0x119: {  	_ =	swait.ge [sflag:s24], $0x2700;
	(pc) =	sbr.rel @p2 .LBB2_8-.Ltmp8, $4  }
0x11a: {  	[sflag:s24] =	ssyncset.done $0x0  }
0x11b: {  	[sflag:s24] =	ssyncadd.s32 $0xFFFFD900  }
0x11c: {  	s28 =	rddreg [dreg:$0x2]  }
0x11d: {  	_ = 	snop  }
.LBB2_10:
0x11e: {  	_ =	sfence.sel $0x180000  }
0x11f: {  	[bflag:$0x0] =	sbarrier.arrive $0xFFFF  }
0x120: {  	_ =	strace $0x90000047  }
0x121: {  	[bflag:$0x2] =	sbarrier.arrive $0xFFFF  }
0x122: {  	s0 =	rddreg [dreg:$0x5]  }
0x123: {  	s0 =	sadd.s32 @!p1 $0x100000, s0  }
0x124: {  	[sflag:s0] =	ssyncadd.tile.s32 @!p1 $0x1;
	_ =	shalt  }
.Lfunc_end2:
_tile_overlayer_lowered:
.L_overlay_start_2:
0x125: {  	(tag) =	ssettag $0x2  }
0x126: {  	s0 =	rddreg [dreg:$0x0];
	s2 =	stileid.u32  }
0x127: {  	s1 =	rddreg [dreg:$0x1];
	p0 =	sne.s32 s2, $0x0  }
0x128: {  	s3 =	rddreg [dreg:$0x2];
	[bflag:$0x3] =	sbarrier.arrive $0xFFFF;
	s2 =	simm.s32 @!p0 $0x1C07  }
0x129: {  	[timem:s3], [sflag:s2] =	dma.local @!p0 [hbm:s0], s1  }
0x12a: {  	s0 =	simm.s32 @!p0 $0x7  }
0x12b: {  	_ =	swait.ge @!p0 [sflag:s0], s1  }
0x12c: {  	s1 =	ssub.s32 @!p0 $0x0, s1;
	[sflag:s0] =	ssyncset.done @!p0 $0x0  }
0x12d: {  	[sflag:s0] =	ssyncadd.s32 @!p0 s1  }
0x12e: {  	[bflag:$0x3] =	sbarrier.arrive $0xFFFF  }
0x12f: {  	_ =	shalt  }

</sc_bundles>
